<compile_context>
chip_gen: v7x
topology: tpu7x:2x2x1
jax: 0.10.2.dev20260603
libtpu: 0.0.44.dev20260713+nightly
codegen_flags: <defaults>
</compile_context>

<pallas_src>
import functools

import jax
import jax.numpy as jnp
from jax import lax
from jax.experimental import pallas as pl
from jax.experimental.pallas import tpu as pltpu
from jax.experimental.pallas import tpu_sc as plsc

B = 16384
D = 64
NC = 2
NS = 16
NW = NC * NS
BPW = B // NW
L = 16
WAVES = BPW // 2


DEPTH = 6
MAIN = (BPW // DEPTH) * DEPTH


def _mf_body(user_hbm, item_hbm, ut_hbm, it_hbm, out_hbm,
             uidx, iidx,
             ub0, ub1, ub2, ub3, ub4, ub5,
             vb0, vb1, vb2, vb3, vb4, vb5,
             outv, sem0, sem1, sem2, sem3, sem4, sem5):
    wid = lax.axis_index("s") * NC + lax.axis_index("c")
    base = wid * BPW

    ub = (ub0, ub1, ub2, ub3, ub4, ub5)
    vb = (vb0, vb1, vb2, vb3, vb4, vb5)
    sems = (sem0, sem1, sem2, sem3, sem4, sem5)

    pltpu.sync_copy(user_hbm.at[pl.ds(base, BPW)], uidx.at[pl.ds(0, BPW)])
    pltpu.sync_copy(item_hbm.at[pl.ds(base, BPW)], iidx.at[pl.ds(0, BPW)])

    lanes = lax.iota(jnp.int32, L)
    zeros = jnp.zeros((L,), jnp.float32)

    def fire(w, parity):
        i0 = jnp.minimum(w, BPW - 1)
        uv = uidx[pl.ds(i0, L)]
        iv = iidx[pl.ds(i0, L)]
        cu = pl.multiple_of((uv[0] >> 7) * 128, 128)
        cv = pl.multiple_of((iv[0] >> 7) * 128, 128)
        pltpu.async_copy(ut_hbm.at[:, pl.ds(cu, 128)], ub[parity],
                         sems[parity])
        pltpu.async_copy(it_hbm.at[:, pl.ds(cv, 128)], vb[parity],
                         sems[parity])

    for s in range(DEPTH):
        fire(s, s)

    def do_wave(w, q, s, refire):
        for _ in range(2):
            pltpu.make_async_copy(ut_hbm.at[:, pl.ds(0, 128)],
                                  ub[0], sems[s]).wait()
        uv = uidx[pl.ds(w, L)]
        iv = iidx[pl.ds(w, L)]
        lu = jnp.full((L,), uv[0] & 127, jnp.int32)
        lv = jnp.full((L,), iv[0] & 127, jnp.int32)
        acc = None
        for j in range(D // L):
            rows = lanes + (j * L)
            uc = plsc.load_gather(ub[s], [rows, lu])
            vc = plsc.load_gather(vb[s], [rows, lv])
            prod = uc * vc
            acc = prod if acc is None else acc + prod
        q = jnp.where(lanes == (w & 15), jnp.sum(acc), q)
        if refire:
            fire(w + DEPTH, s)
        flush = (w & 15) == 15
        @pl.when(flush)
        def _():
            outv[pl.ds((w >> 4) * L, L)] = 1.0 / (1.0 + jnp.exp(-q))
        return jnp.where(flush, zeros, q)

    def group_body(t, q):
        for s in range(DEPTH):
            q = do_wave(DEPTH * t + s, q, s, True)
        return q

    q = lax.fori_loop(0, MAIN // DEPTH, group_body, zeros)
    for w in range(MAIN, BPW):
        q = do_wave(jnp.int32(w), q, w % DEPTH, False)

    for w in range(BPW, MAIN + DEPTH):
        for _ in range(2):
            pltpu.make_async_copy(ut_hbm.at[:, pl.ds(0, 128)],
                                  ub[0], sems[w % DEPTH]).wait()

    pltpu.sync_copy(outv, out_hbm.at[pl.ds(base, BPW)])


def kernel(user, item, user_table, item_table):
    mesh = plsc.VectorSubcoreMesh(core_axis_name="c", subcore_axis_name="s")
    blk = lambda: pltpu.VMEM((D, 128), jnp.float32)
    run = functools.partial(
        pl.kernel,
        out_type=jax.ShapeDtypeStruct((B,), jnp.float32),
        mesh=mesh,
        compiler_params=pltpu.CompilerParams(needs_layout_passes=False),
        scratch_types=[
            pltpu.VMEM((BPW + L,), jnp.int32),
            pltpu.VMEM((BPW + L,), jnp.int32),
        ] + [blk() for _ in range(2 * DEPTH)] + [
            pltpu.VMEM((BPW,), jnp.float32),
        ] + [pltpu.SemaphoreType.DMA] * DEPTH,
    )(_mf_body)
    return run(user, item, user_table.T, item_table.T)

# --- scband reference (transcript-rebuilt; emitter-appended) ---
"""Pipeline reference for scband-mf-26877905338562 (READ-ONLY COPY).

The authoritative reference and input builder live on the scoring server;
editing this copy changes nothing except your own understanding.
"""

import jax, jax.numpy as jnp
import numpy as np

NUM_USERS = 1000000
NUM_ITEMS = 1000000
MF_DIM = 64
BATCH = 16384


def setup_inputs(seed: int = 0) -> dict:
    key = jax.random.key(seed)
    k_user, k_item, k_ut, k_it = jax.random.split(key, 4)
    user = jax.random.randint(k_user, (BATCH,), 0, NUM_USERS, dtype=jnp.int64 if jax.config.jax_enable_x64 else jnp.int32).astype(jnp.int32)
    item = jax.random.randint(k_item, (BATCH,), 0, NUM_ITEMS, dtype=jnp.int64 if jax.config.jax_enable_x64 else jnp.int32).astype(jnp.int32)
    user_table = jax.random.normal(k_ut, (NUM_USERS, MF_DIM), dtype=jnp.float32) * 0.01
    item_table = jax.random.normal(k_it, (NUM_ITEMS, MF_DIM), dtype=jnp.float32) * 0.01
    return {"user": user, "item": item, "user_table": user_table, "item_table": item_table}


def reference(user, item, user_table, item_table):
    # user/item embedding lookups (gather)
    user_embedding = jnp.take(user_table, user, axis=0)  # [B, mf_dim]
    item_embedding = jnp.take(item_table, item, axis=0)  # [B, mf_dim]
    pred = jnp.sum(user_embedding * item_embedding, axis=1)  # [B]
    return jax.nn.sigmoid(pred)

if __name__ == "__main__":
    import jax
    _d = setup_inputs()
    print(jax.jit(kernel)(*tuple(_d.values())))

</pallas_src>

<mosaic_0001>
#map = affine_map<(d0, d1) -> (0)>
#map1 = affine_map<(d0, d1) -> (0, 0)>
module attributes {stable_mosaic.version = 14 : i64} {
  func.func @_mf_body(%arg0: i32, %arg1: i32, %arg2: memref<16384xi32, #tpu.memory_space<hbm>>, %arg3: memref<16384xi32, #tpu.memory_space<hbm>>, %arg4: memref<64x1000000xf32, #tpu.memory_space<hbm>>, %arg5: memref<64x1000000xf32, #tpu.memory_space<hbm>>, %arg6: memref<16384xf32, #tpu.memory_space<hbm>>, %arg7: memref<528xi32, #tpu.memory_space<vmem>>, %arg8: memref<528xi32, #tpu.memory_space<vmem>>, %arg9: memref<64x128xf32, #tpu.memory_space<vmem>>, %arg10: memref<64x128xf32, #tpu.memory_space<vmem>>, %arg11: memref<64x128xf32, #tpu.memory_space<vmem>>, %arg12: memref<64x128xf32, #tpu.memory_space<vmem>>, %arg13: memref<64x128xf32, #tpu.memory_space<vmem>>, %arg14: memref<64x128xf32, #tpu.memory_space<vmem>>, %arg15: memref<64x128xf32, #tpu.memory_space<vmem>>, %arg16: memref<64x128xf32, #tpu.memory_space<vmem>>, %arg17: memref<64x128xf32, #tpu.memory_space<vmem>>, %arg18: memref<64x128xf32, #tpu.memory_space<vmem>>, %arg19: memref<64x128xf32, #tpu.memory_space<vmem>>, %arg20: memref<64x128xf32, #tpu.memory_space<vmem>>, %arg21: memref<512xf32, #tpu.memory_space<vmem>>, %arg22: memref<!tpu.dma_semaphore, #tpu.memory_space<semaphore_mem>>, %arg23: memref<!tpu.dma_semaphore, #tpu.memory_space<semaphore_mem>>, %arg24: memref<!tpu.dma_semaphore, #tpu.memory_space<semaphore_mem>>, %arg25: memref<!tpu.dma_semaphore, #tpu.memory_space<semaphore_mem>>, %arg26: memref<!tpu.dma_semaphore, #tpu.memory_space<semaphore_mem>>, %arg27: memref<!tpu.dma_semaphore, #tpu.memory_space<semaphore_mem>>) attributes {dimension_semantics = [#tpu.dimension_semantics<core_parallel>, #tpu.dimension_semantics<subcore_parallel>], iteration_bounds = array<i64: 2, 16>, scalar_prefetch = 0 : i64, scratch_operands = 21 : i64, tpu.core_type = #tpu.core_type<sc_vector_subcore>, window_params = [{transform_indices = #map}, {transform_indices = #map}, {transform_indices = #map1}, {transform_indices = #map1}, {transform_indices = #map}]} {
    %mul3A = arith.constant 2 : i32
    %mul3A_0 = arith.muli %arg1, %mul3A : i32
    %add3A = arith.addi %mul3A_0, %arg0 : i32
    %mul3A_1 = arith.constant 512 : i32
    %mul3A_2 = arith.muli %add3A, %mul3A_1 : i32
    "tpu.region"() ({
      %run_scoped3A = tpu.sem_alloc : memref<!tpu.dma_semaphore, #tpu.memory_space<semaphore_mem>>
      %dma_start3A_368 = arith.constant 0 : i32
      %dma_start3A_369 = tpu.memref_slice %arg7[%dma_start3A_368] : memref<528xi32, #tpu.memory_space<vmem>> -> memref<512xi32, #tpu.memory_space<vmem>>
      %dma_start3A_370 = tpu.memref_slice %arg2[%mul3A_2] : memref<16384xi32, #tpu.memory_space<hbm>> -> memref<512xi32, #tpu.memory_space<hbm>>
      %dma_start3A_371 = arith.constant 0 : i32
      %dma_start3A_372 = tpu.memref_slice %arg7[%dma_start3A_371] : memref<528xi32, #tpu.memory_space<vmem>> -> memref<512xi32, #tpu.memory_space<vmem>>
      %dma_start3A_373 = tpu.memref_slice %arg2[%mul3A_2] : memref<16384xi32, #tpu.memory_space<hbm>> -> memref<512xi32, #tpu.memory_space<hbm>>
      tpu.enqueue_dma source(%dma_start3A_373 : memref<512xi32, #tpu.memory_space<hbm>>) target(%dma_start3A_372 : memref<512xi32, #tpu.memory_space<vmem>>) target_semaphore(%run_scoped3A : memref<!tpu.dma_semaphore, #tpu.memory_space<semaphore_mem>>)
      %dma_wait3A_374 = arith.constant 0 : i32
      %dma_wait3A_375 = tpu.memref_slice %arg7[%dma_wait3A_374] : memref<528xi32, #tpu.memory_space<vmem>> -> memref<512xi32, #tpu.memory_space<vmem>>
      %dma_wait3A_376 = tpu.memref_slice %arg2[%mul3A_2] : memref<16384xi32, #tpu.memory_space<hbm>> -> memref<512xi32, #tpu.memory_space<hbm>>
      %dma_wait3A_377 = arith.constant 0 : i32
      %dma_wait3A_378 = tpu.memref_slice %arg7[%dma_wait3A_377] : memref<528xi32, #tpu.memory_space<vmem>> -> memref<512xi32, #tpu.memory_space<vmem>>
      %dma_wait3A_379 = tpu.memref_slice %arg2[%mul3A_2] : memref<16384xi32, #tpu.memory_space<hbm>> -> memref<512xi32, #tpu.memory_space<hbm>>
      tpu.wait_dma2 semaphore(%run_scoped3A : memref<!tpu.dma_semaphore, #tpu.memory_space<semaphore_mem>>) src(%dma_wait3A_379 : memref<512xi32, #tpu.memory_space<hbm>>) dst(%dma_wait3A_378 : memref<512xi32, #tpu.memory_space<vmem>>)
      tpu.yield
    }) : () -> ()
    "tpu.region"() ({
      %run_scoped3A = tpu.sem_alloc : memref<!tpu.dma_semaphore, #tpu.memory_space<semaphore_mem>>
      %dma_start3A_368 = arith.constant 0 : i32
      %dma_start3A_369 = tpu.memref_slice %arg8[%dma_start3A_368] : memref<528xi32, #tpu.memory_space<vmem>> -> memref<512xi32, #tpu.memory_space<vmem>>
      %dma_start3A_370 = tpu.memref_slice %arg3[%mul3A_2] : memref<16384xi32, #tpu.memory_space<hbm>> -> memref<512xi32, #tpu.memory_space<hbm>>
      %dma_start3A_371 = arith.constant 0 : i32
      %dma_start3A_372 = tpu.memref_slice %arg8[%dma_start3A_371] : memref<528xi32, #tpu.memory_space<vmem>> -> memref<512xi32, #tpu.memory_space<vmem>>
      %dma_start3A_373 = tpu.memref_slice %arg3[%mul3A_2] : memref<16384xi32, #tpu.memory_space<hbm>> -> memref<512xi32, #tpu.memory_space<hbm>>
      tpu.enqueue_dma source(%dma_start3A_373 : memref<512xi32, #tpu.memory_space<hbm>>) target(%dma_start3A_372 : memref<512xi32, #tpu.memory_space<vmem>>) target_semaphore(%run_scoped3A : memref<!tpu.dma_semaphore, #tpu.memory_space<semaphore_mem>>)
      %dma_wait3A_374 = arith.constant 0 : i32
      %dma_wait3A_375 = tpu.memref_slice %arg8[%dma_wait3A_374] : memref<528xi32, #tpu.memory_space<vmem>> -> memref<512xi32, #tpu.memory_space<vmem>>
      %dma_wait3A_376 = tpu.memref_slice %arg3[%mul3A_2] : memref<16384xi32, #tpu.memory_space<hbm>> -> memref<512xi32, #tpu.memory_space<hbm>>
      %dma_wait3A_377 = arith.constant 0 : i32
      %dma_wait3A_378 = tpu.memref_slice %arg8[%dma_wait3A_377] : memref<528xi32, #tpu.memory_space<vmem>> -> memref<512xi32, #tpu.memory_space<vmem>>
      %dma_wait3A_379 = tpu.memref_slice %arg3[%mul3A_2] : memref<16384xi32, #tpu.memory_space<hbm>> -> memref<512xi32, #tpu.memory_space<hbm>>
      tpu.wait_dma2 semaphore(%run_scoped3A : memref<!tpu.dma_semaphore, #tpu.memory_space<semaphore_mem>>) src(%dma_wait3A_379 : memref<512xi32, #tpu.memory_space<hbm>>) dst(%dma_wait3A_378 : memref<512xi32, #tpu.memory_space<vmem>>)
      tpu.yield
    }) : () -> ()
    %iota3A = tpu.iota {dimensions = array<i32: 0>} : vector<16xi32>
    %broadcast_in_dim3A = arith.constant 0.000000e+00 : f32
    %broadcast_in_dim3A_3 = vector.broadcast %broadcast_in_dim3A : f32 to vector<16xf32>
    %min3A = arith.constant 0 : i32
    %min3A_4 = arith.constant 511 : i32
    %min3A_5 = arith.minsi %min3A, %min3A_4 : i32
    %get3A = arith.index_cast %min3A_5 : i32 to index
    %get3A_6 = tpu.vector_load %arg7[%get3A] {strides = array<i32>} : memref<528xi32, #tpu.memory_space<vmem>>, vector<16xi32>,
    %get3A_7 = arith.index_cast %min3A_5 : i32 to index
    %get3A_8 = tpu.vector_load %arg8[%get3A_7] {strides = array<i32>} : memref<528xi32, #tpu.memory_space<vmem>>, vector<16xi32>,
    %slice3A = vector.extract_strided_slice %get3A_6 {offsets = [0], sizes = [1], strides = [1]} : vector<16xi32> to vector<1xi32>
    %squeeze3A = vector.extract %slice3A[0] : i32 from vector<1xi32>
    %shift_right_arithmetic3A = arith.constant 7 : i32
    %shift_right_arithmetic3A_9 = arith.shrsi %squeeze3A, %shift_right_arithmetic3A : i32
    %mul3A_10 = arith.constant 128 : i32
    %mul3A_11 = arith.muli %shift_right_arithmetic3A_9, %mul3A_10 : i32
    %multiple_of3A = tpu.assume_multiple %mul3A_11, 128 : i32
    %slice3A_12 = vector.extract_strided_slice %get3A_8 {offsets = [0], sizes = [1], strides = [1]} : vector<16xi32> to vector<1xi32>
    %squeeze3A_13 = vector.extract %slice3A_12[0] : i32 from vector<1xi32>
    %shift_right_arithmetic3A_14 = arith.constant 7 : i32
    %shift_right_arithmetic3A_15 = arith.shrsi %squeeze3A_13, %shift_right_arithmetic3A_14 : i32
    %mul3A_16 = arith.constant 128 : i32
    %mul3A_17 = arith.muli %shift_right_arithmetic3A_15, %mul3A_16 : i32
    %multiple_of3A_18 = tpu.assume_multiple %mul3A_17, 128 : i32
    %dma_start3A = arith.constant 0 : i32
    %dma_start3A_19 = tpu.memref_slice %arg4[%dma_start3A, %multiple_of3A] : memref<64x1000000xf32, #tpu.memory_space<hbm>> -> memref<64x128xf32, #tpu.memory_space<hbm>>
    %dma_start3A_20 = arith.constant 0 : i32
    %dma_start3A_21 = tpu.memref_slice %arg4[%dma_start3A_20, %multiple_of3A] : memref<64x1000000xf32, #tpu.memory_space<hbm>> -> memref<64x128xf32, #tpu.memory_space<hbm>>
    tpu.enqueue_dma source(%dma_start3A_21 : memref<64x128xf32, #tpu.memory_space<hbm>>) target(%arg9 : memref<64x128xf32, #tpu.memory_space<vmem>>) target_semaphore(%arg22 : memref<!tpu.dma_semaphore, #tpu.memory_space<semaphore_mem>>)
    %dma_start3A_22 = arith.constant 0 : i32
    %dma_start3A_23 = tpu.memref_slice %arg5[%dma_start3A_22, %multiple_of3A_18] : memref<64x1000000xf32, #tpu.memory_space<hbm>> -> memref<64x128xf32, #tpu.memory_space<hbm>>
    %dma_start3A_24 = arith.constant 0 : i32
    %dma_start3A_25 = tpu.memref_slice %arg5[%dma_start3A_24, %multiple_of3A_18] : memref<64x1000000xf32, #tpu.memory_space<hbm>> -> memref<64x128xf32, #tpu.memory_space<hbm>>
    tpu.enqueue_dma source(%dma_start3A_25 : memref<64x128xf32, #tpu.memory_space<hbm>>) target(%arg15 : memref<64x128xf32, #tpu.memory_space<vmem>>) target_semaphore(%arg22 : memref<!tpu.dma_semaphore, #tpu.memory_space<semaphore_mem>>)
    %min3A_26 = arith.constant 1 : i32
    %min3A_27 = arith.constant 511 : i32
    %min3A_28 = arith.minsi %min3A_26, %min3A_27 : i32
    %get3A_29 = arith.index_cast %min3A_28 : i32 to index
    %get3A_30 = tpu.vector_load %arg7[%get3A_29] {strides = array<i32>} : memref<528xi32, #tpu.memory_space<vmem>>, vector<16xi32>,
    %get3A_31 = arith.index_cast %min3A_28 : i32 to index
    %get3A_32 = tpu.vector_load %arg8[%get3A_31] {strides = array<i32>} : memref<528xi32, #tpu.memory_space<vmem>>, vector<16xi32>,
    %slice3A_33 = vector.extract_strided_slice %get3A_30 {offsets = [0], sizes = [1], strides = [1]} : vector<16xi32> to vector<1xi32>
    %squeeze3A_34 = vector.extract %slice3A_33[0] : i32 from vector<1xi32>
    %shift_right_arithmetic3A_35 = arith.constant 7 : i32
    %shift_right_arithmetic3A_36 = arith.shrsi %squeeze3A_34, %shift_right_arithmetic3A_35 : i32
    %mul3A_37 = arith.constant 128 : i32
    %mul3A_38 = arith.muli %shift_right_arithmetic3A_36, %mul3A_37 : i32
    %multiple_of3A_39 = tpu.assume_multiple %mul3A_38, 128 : i32
    %slice3A_40 = vector.extract_strided_slice %get3A_32 {offsets = [0], sizes = [1], strides = [1]} : vector<16xi32> to vector<1xi32>
    %squeeze3A_41 = vector.extract %slice3A_40[0] : i32 from vector<1xi32>
    %shift_right_arithmetic3A_42 = arith.constant 7 : i32
    %shift_right_arithmetic3A_43 = arith.shrsi %squeeze3A_41, %shift_right_arithmetic3A_42 : i32
    %mul3A_44 = arith.constant 128 : i32
    %mul3A_45 = arith.muli %shift_right_arithmetic3A_43, %mul3A_44 : i32
    %multiple_of3A_46 = tpu.assume_multiple %mul3A_45, 128 : i32
    %dma_start3A_47 = arith.constant 0 : i32
    %dma_start3A_48 = tpu.memref_slice %arg4[%dma_start3A_47, %multiple_of3A_39] : memref<64x1000000xf32, #tpu.memory_space<hbm>> -> memref<64x128xf32, #tpu.memory_space<hbm>>
    %dma_start3A_49 = arith.constant 0 : i32
    %dma_start3A_50 = tpu.memref_slice %arg4[%dma_start3A_49, %multiple_of3A_39] : memref<64x1000000xf32, #tpu.memory_space<hbm>> -> memref<64x128xf32, #tpu.memory_space<hbm>>
    tpu.enqueue_dma source(%dma_start3A_50 : memref<64x128xf32, #tpu.memory_space<hbm>>) target(%arg10 : memref<64x128xf32, #tpu.memory_space<vmem>>) target_semaphore(%arg23 : memref<!tpu.dma_semaphore, #tpu.memory_space<semaphore_mem>>)
    %dma_start3A_51 = arith.constant 0 : i32
    %dma_start3A_52 = tpu.memref_slice %arg5[%dma_start3A_51, %multiple_of3A_46] : memref<64x1000000xf32, #tpu.memory_space<hbm>> -> memref<64x128xf32, #tpu.memory_space<hbm>>
    %dma_start3A_53 = arith.constant 0 : i32
    %dma_start3A_54 = tpu.memref_slice %arg5[%dma_start3A_53, %multiple_of3A_46] : memref<64x1000000xf32, #tpu.memory_space<hbm>> -> memref<64x128xf32, #tpu.memory_space<hbm>>
    tpu.enqueue_dma source(%dma_start3A_54 : memref<64x128xf32, #tpu.memory_space<hbm>>) target(%arg16 : memref<64x128xf32, #tpu.memory_space<vmem>>) target_semaphore(%arg23 : memref<!tpu.dma_semaphore, #tpu.memory_space<semaphore_mem>>)
    %min3A_55 = arith.constant 2 : i32
    %min3A_56 = arith.constant 511 : i32
    %min3A_57 = arith.minsi %min3A_55, %min3A_56 : i32
    %get3A_58 = arith.index_cast %min3A_57 : i32 to index
    %get3A_59 = tpu.vector_load %arg7[%get3A_58] {strides = array<i32>} : memref<528xi32, #tpu.memory_space<vmem>>, vector<16xi32>,
    %get3A_60 = arith.index_cast %min3A_57 : i32 to index
    %get3A_61 = tpu.vector_load %arg8[%get3A_60] {strides = array<i32>} : memref<528xi32, #tpu.memory_space<vmem>>, vector<16xi32>,
    %slice3A_62 = vector.extract_strided_slice %get3A_59 {offsets = [0], sizes = [1], strides = [1]} : vector<16xi32> to vector<1xi32>
    %squeeze3A_63 = vector.extract %slice3A_62[0] : i32 from vector<1xi32>
    %shift_right_arithmetic3A_64 = arith.constant 7 : i32
    %shift_right_arithmetic3A_65 = arith.shrsi %squeeze3A_63, %shift_right_arithmetic3A_64 : i32
    %mul3A_66 = arith.constant 128 : i32
    %mul3A_67 = arith.muli %shift_right_arithmetic3A_65, %mul3A_66 : i32
    %multiple_of3A_68 = tpu.assume_multiple %mul3A_67, 128 : i32
    %slice3A_69 = vector.extract_strided_slice %get3A_61 {offsets = [0], sizes = [1], strides = [1]} : vector<16xi32> to vector<1xi32>
    %squeeze3A_70 = vector.extract %slice3A_69[0] : i32 from vector<1xi32>
    %shift_right_arithmetic3A_71 = arith.constant 7 : i32
    %shift_right_arithmetic3A_72 = arith.shrsi %squeeze3A_70, %shift_right_arithmetic3A_71 : i32
    %mul3A_73 = arith.constant 128 : i32
    %mul3A_74 = arith.muli %shift_right_arithmetic3A_72, %mul3A_73 : i32
    %multiple_of3A_75 = tpu.assume_multiple %mul3A_74, 128 : i32
    %dma_start3A_76 = arith.constant 0 : i32
    %dma_start3A_77 = tpu.memref_slice %arg4[%dma_start3A_76, %multiple_of3A_68] : memref<64x1000000xf32, #tpu.memory_space<hbm>> -> memref<64x128xf32, #tpu.memory_space<hbm>>
    %dma_start3A_78 = arith.constant 0 : i32
    %dma_start3A_79 = tpu.memref_slice %arg4[%dma_start3A_78, %multiple_of3A_68] : memref<64x1000000xf32, #tpu.memory_space<hbm>> -> memref<64x128xf32, #tpu.memory_space<hbm>>
    tpu.enqueue_dma source(%dma_start3A_79 : memref<64x128xf32, #tpu.memory_space<hbm>>) target(%arg11 : memref<64x128xf32, #tpu.memory_space<vmem>>) target_semaphore(%arg24 : memref<!tpu.dma_semaphore, #tpu.memory_space<semaphore_mem>>)
    %dma_start3A_80 = arith.constant 0 : i32
    %dma_start3A_81 = tpu.memref_slice %arg5[%dma_start3A_80, %multiple_of3A_75] : memref<64x1000000xf32, #tpu.memory_space<hbm>> -> memref<64x128xf32, #tpu.memory_space<hbm>>
    %dma_start3A_82 = arith.constant 0 : i32
    %dma_start3A_83 = tpu.memref_slice %arg5[%dma_start3A_82, %multiple_of3A_75] : memref<64x1000000xf32, #tpu.memory_space<hbm>> -> memref<64x128xf32, #tpu.memory_space<hbm>>
    tpu.enqueue_dma source(%dma_start3A_83 : memref<64x128xf32, #tpu.memory_space<hbm>>) target(%arg17 : memref<64x128xf32, #tpu.memory_space<vmem>>) target_semaphore(%arg24 : memref<!tpu.dma_semaphore, #tpu.memory_space<semaphore_mem>>)
    %min3A_84 = arith.constant 3 : i32
    %min3A_85 = arith.constant 511 : i32
    %min3A_86 = arith.minsi %min3A_84, %min3A_85 : i32
    %get3A_87 = arith.index_cast %min3A_86 : i32 to index
    %get3A_88 = tpu.vector_load %arg7[%get3A_87] {strides = array<i32>} : memref<528xi32, #tpu.memory_space<vmem>>, vector<16xi32>,
    %get3A_89 = arith.index_cast %min3A_86 : i32 to index
    %get3A_90 = tpu.vector_load %arg8[%get3A_89] {strides = array<i32>} : memref<528xi32, #tpu.memory_space<vmem>>, vector<16xi32>,
    %slice3A_91 = vector.extract_strided_slice %get3A_88 {offsets = [0], sizes = [1], strides = [1]} : vector<16xi32> to vector<1xi32>
    %squeeze3A_92 = vector.extract %slice3A_91[0] : i32 from vector<1xi32>
    %shift_right_arithmetic3A_93 = arith.constant 7 : i32
    %shift_right_arithmetic3A_94 = arith.shrsi %squeeze3A_92, %shift_right_arithmetic3A_93 : i32
    %mul3A_95 = arith.constant 128 : i32
    %mul3A_96 = arith.muli %shift_right_arithmetic3A_94, %mul3A_95 : i32
    %multiple_of3A_97 = tpu.assume_multiple %mul3A_96, 128 : i32
    %slice3A_98 = vector.extract_strided_slice %get3A_90 {offsets = [0], sizes = [1], strides = [1]} : vector<16xi32> to vector<1xi32>
    %squeeze3A_99 = vector.extract %slice3A_98[0] : i32 from vector<1xi32>
    %shift_right_arithmetic3A_100 = arith.constant 7 : i32
    %shift_right_arithmetic3A_101 = arith.shrsi %squeeze3A_99, %shift_right_arithmetic3A_100 : i32
    %mul3A_102 = arith.constant 128 : i32
    %mul3A_103 = arith.muli %shift_right_arithmetic3A_101, %mul3A_102 : i32
    %multiple_of3A_104 = tpu.assume_multiple %mul3A_103, 128 : i32
    %dma_start3A_105 = arith.constant 0 : i32
    %dma_start3A_106 = tpu.memref_slice %arg4[%dma_start3A_105, %multiple_of3A_97] : memref<64x1000000xf32, #tpu.memory_space<hbm>> -> memref<64x128xf32, #tpu.memory_space<hbm>>
    %dma_start3A_107 = arith.constant 0 : i32
    %dma_start3A_108 = tpu.memref_slice %arg4[%dma_start3A_107, %multiple_of3A_97] : memref<64x1000000xf32, #tpu.memory_space<hbm>> -> memref<64x128xf32, #tpu.memory_space<hbm>>
    tpu.enqueue_dma source(%dma_start3A_108 : memref<64x128xf32, #tpu.memory_space<hbm>>) target(%arg12 : memref<64x128xf32, #tpu.memory_space<vmem>>) target_semaphore(%arg25 : memref<!tpu.dma_semaphore, #tpu.memory_space<semaphore_mem>>)
    %dma_start3A_109 = arith.constant 0 : i32
    %dma_start3A_110 = tpu.memref_slice %arg5[%dma_start3A_109, %multiple_of3A_104] : memref<64x1000000xf32, #tpu.memory_space<hbm>> -> memref<64x128xf32, #tpu.memory_space<hbm>>
    %dma_start3A_111 = arith.constant 0 : i32
    %dma_start3A_112 = tpu.memref_slice %arg5[%dma_start3A_111, %multiple_of3A_104] : memref<64x1000000xf32, #tpu.memory_space<hbm>> -> memref<64x128xf32, #tpu.memory_space<hbm>>
    tpu.enqueue_dma source(%dma_start3A_112 : memref<64x128xf32, #tpu.memory_space<hbm>>) target(%arg18 : memref<64x128xf32, #tpu.memory_space<vmem>>) target_semaphore(%arg25 : memref<!tpu.dma_semaphore, #tpu.memory_space<semaphore_mem>>)
    %min3A_113 = arith.constant 4 : i32
    %min3A_114 = arith.constant 511 : i32
    %min3A_115 = arith.minsi %min3A_113, %min3A_114 : i32
    %get3A_116 = arith.index_cast %min3A_115 : i32 to index
    %get3A_117 = tpu.vector_load %arg7[%get3A_116] {strides = array<i32>} : memref<528xi32, #tpu.memory_space<vmem>>, vector<16xi32>,
    %get3A_118 = arith.index_cast %min3A_115 : i32 to index
    %get3A_119 = tpu.vector_load %arg8[%get3A_118] {strides = array<i32>} : memref<528xi32, #tpu.memory_space<vmem>>, vector<16xi32>,
    %slice3A_120 = vector.extract_strided_slice %get3A_117 {offsets = [0], sizes = [1], strides = [1]} : vector<16xi32> to vector<1xi32>
    %squeeze3A_121 = vector.extract %slice3A_120[0] : i32 from vector<1xi32>
    %shift_right_arithmetic3A_122 = arith.constant 7 : i32
    %shift_right_arithmetic3A_123 = arith.shrsi %squeeze3A_121, %shift_right_arithmetic3A_122 : i32
    %mul3A_124 = arith.constant 128 : i32
    %mul3A_125 = arith.muli %shift_right_arithmetic3A_123, %mul3A_124 : i32
    %multiple_of3A_126 = tpu.assume_multiple %mul3A_125, 128 : i32
    %slice3A_127 = vector.extract_strided_slice %get3A_119 {offsets = [0], sizes = [1], strides = [1]} : vector<16xi32> to vector<1xi32>
    %squeeze3A_128 = vector.extract %slice3A_127[0] : i32 from vector<1xi32>
    %shift_right_arithmetic3A_129 = arith.constant 7 : i32
    %shift_right_arithmetic3A_130 = arith.shrsi %squeeze3A_128, %shift_right_arithmetic3A_129 : i32
    %mul3A_131 = arith.constant 128 : i32
    %mul3A_132 = arith.muli %shift_right_arithmetic3A_130, %mul3A_131 : i32
    %multiple_of3A_133 = tpu.assume_multiple %mul3A_132, 128 : i32
    %dma_start3A_134 = arith.constant 0 : i32
    %dma_start3A_135 = tpu.memref_slice %arg4[%dma_start3A_134, %multiple_of3A_126] : memref<64x1000000xf32, #tpu.memory_space<hbm>> -> memref<64x128xf32, #tpu.memory_space<hbm>>
    %dma_start3A_136 = arith.constant 0 : i32
    %dma_start3A_137 = tpu.memref_slice %arg4[%dma_start3A_136, %multiple_of3A_126] : memref<64x1000000xf32, #tpu.memory_space<hbm>> -> memref<64x128xf32, #tpu.memory_space<hbm>>
    tpu.enqueue_dma source(%dma_start3A_137 : memref<64x128xf32, #tpu.memory_space<hbm>>) target(%arg13 : memref<64x128xf32, #tpu.memory_space<vmem>>) target_semaphore(%arg26 : memref<!tpu.dma_semaphore, #tpu.memory_space<semaphore_mem>>)
    %dma_start3A_138 = arith.constant 0 : i32
    %dma_start3A_139 = tpu.memref_slice %arg5[%dma_start3A_138, %multiple_of3A_133] : memref<64x1000000xf32, #tpu.memory_space<hbm>> -> memref<64x128xf32, #tpu.memory_space<hbm>>
    %dma_start3A_140 = arith.constant 0 : i32
    %dma_start3A_141 = tpu.memref_slice %arg5[%dma_start3A_140, %multiple_of3A_133] : memref<64x1000000xf32, #tpu.memory_space<hbm>> -> memref<64x128xf32, #tpu.memory_space<hbm>>
    tpu.enqueue_dma source(%dma_start3A_141 : memref<64x128xf32, #tpu.memory_space<hbm>>) target(%arg19 : memref<64x128xf32, #tpu.memory_space<vmem>>) target_semaphore(%arg26 : memref<!tpu.dma_semaphore, #tpu.memory_space<semaphore_mem>>)
    %min3A_142 = arith.constant 5 : i32
    %min3A_143 = arith.constant 511 : i32
    %min3A_144 = arith.minsi %min3A_142, %min3A_143 : i32
    %get3A_145 = arith.index_cast %min3A_144 : i32 to index
    %get3A_146 = tpu.vector_load %arg7[%get3A_145] {strides = array<i32>} : memref<528xi32, #tpu.memory_space<vmem>>, vector<16xi32>,
    %get3A_147 = arith.index_cast %min3A_144 : i32 to index
    %get3A_148 = tpu.vector_load %arg8[%get3A_147] {strides = array<i32>} : memref<528xi32, #tpu.memory_space<vmem>>, vector<16xi32>,
    %slice3A_149 = vector.extract_strided_slice %get3A_146 {offsets = [0], sizes = [1], strides = [1]} : vector<16xi32> to vector<1xi32>
    %squeeze3A_150 = vector.extract %slice3A_149[0] : i32 from vector<1xi32>
    %shift_right_arithmetic3A_151 = arith.constant 7 : i32
    %shift_right_arithmetic3A_152 = arith.shrsi %squeeze3A_150, %shift_right_arithmetic3A_151 : i32
    %mul3A_153 = arith.constant 128 : i32
    %mul3A_154 = arith.muli %shift_right_arithmetic3A_152, %mul3A_153 : i32
    %multiple_of3A_155 = tpu.assume_multiple %mul3A_154, 128 : i32
    %slice3A_156 = vector.extract_strided_slice %get3A_148 {offsets = [0], sizes = [1], strides = [1]} : vector<16xi32> to vector<1xi32>
    %squeeze3A_157 = vector.extract %slice3A_156[0] : i32 from vector<1xi32>
    %shift_right_arithmetic3A_158 = arith.constant 7 : i32
    %shift_right_arithmetic3A_159 = arith.shrsi %squeeze3A_157, %shift_right_arithmetic3A_158 : i32
    %mul3A_160 = arith.constant 128 : i32
    %mul3A_161 = arith.muli %shift_right_arithmetic3A_159, %mul3A_160 : i32
    %multiple_of3A_162 = tpu.assume_multiple %mul3A_161, 128 : i32
    %dma_start3A_163 = arith.constant 0 : i32
    %dma_start3A_164 = tpu.memref_slice %arg4[%dma_start3A_163, %multiple_of3A_155] : memref<64x1000000xf32, #tpu.memory_space<hbm>> -> memref<64x128xf32, #tpu.memory_space<hbm>>
    %dma_start3A_165 = arith.constant 0 : i32
    %dma_start3A_166 = tpu.memref_slice %arg4[%dma_start3A_165, %multiple_of3A_155] : memref<64x1000000xf32, #tpu.memory_space<hbm>> -> memref<64x128xf32, #tpu.memory_space<hbm>>
    tpu.enqueue_dma source(%dma_start3A_166 : memref<64x128xf32, #tpu.memory_space<hbm>>) target(%arg14 : memref<64x128xf32, #tpu.memory_space<vmem>>) target_semaphore(%arg27 : memref<!tpu.dma_semaphore, #tpu.memory_space<semaphore_mem>>)
    %dma_start3A_167 = arith.constant 0 : i32
    %dma_start3A_168 = tpu.memref_slice %arg5[%dma_start3A_167, %multiple_of3A_162] : memref<64x1000000xf32, #tpu.memory_space<hbm>> -> memref<64x128xf32, #tpu.memory_space<hbm>>
    %dma_start3A_169 = arith.constant 0 : i32
    %dma_start3A_170 = tpu.memref_slice %arg5[%dma_start3A_169, %multiple_of3A_162] : memref<64x1000000xf32, #tpu.memory_space<hbm>> -> memref<64x128xf32, #tpu.memory_space<hbm>>
    tpu.enqueue_dma source(%dma_start3A_170 : memref<64x128xf32, #tpu.memory_space<hbm>>) target(%arg20 : memref<64x128xf32, #tpu.memory_space<vmem>>) target_semaphore(%arg27 : memref<!tpu.dma_semaphore, #tpu.memory_space<semaphore_mem>>)
    %scan3A = arith.constant 0 : i32
    %scan3A_171 = arith.constant 85 : i32
    %scan3A_172 = arith.addi %scan3A, %scan3A_171 : i32
    %scan3A_173 = arith.constant 1 : i32
    %scan3A_174 = scf.for %scan3A_368 = %scan3A to %scan3A_172 step %scan3A_173 iter_args(%scan3A_369 = %broadcast_in_dim3A_3) -> (vector<16xf32>)  : i32 {
      %mul3A_370 = arith.constant 6 : i32
      %mul3A_371 = arith.muli %mul3A_370, %scan3A_368 : i32
      %add3A_372 = arith.constant 0 : i32
      %add3A_373 = arith.addi %mul3A_371, %add3A_372 : i32
      %dma_wait3A_374 = arith.constant 0 : i32
      %dma_wait3A_375 = arith.constant 0 : i32
      %dma_wait3A_376 = tpu.memref_slice %arg4[%dma_wait3A_374, %dma_wait3A_375] : memref<64x1000000xf32, #tpu.memory_space<hbm>> -> memref<64x128xf32, #tpu.memory_space<hbm>>
      %dma_wait3A_377 = arith.constant 0 : i32
      %dma_wait3A_378 = arith.constant 0 : i32
      %dma_wait3A_379 = tpu.memref_slice %arg4[%dma_wait3A_377, %dma_wait3A_378] : memref<64x1000000xf32, #tpu.memory_space<hbm>> -> memref<64x128xf32, #tpu.memory_space<hbm>>
      tpu.wait_dma2 semaphore(%arg22 : memref<!tpu.dma_semaphore, #tpu.memory_space<semaphore_mem>>) src(%dma_wait3A_379 : memref<64x128xf32, #tpu.memory_space<hbm>>) dst(%arg9 : memref<64x128xf32, #tpu.memory_space<vmem>>)
      %dma_wait3A_380 = arith.constant 0 : i32
      %dma_wait3A_381 = arith.constant 0 : i32
      %dma_wait3A_382 = tpu.memref_slice %arg4[%dma_wait3A_380, %dma_wait3A_381] : memref<64x1000000xf32, #tpu.memory_space<hbm>> -> memref<64x128xf32, #tpu.memory_space<hbm>>
      %dma_wait3A_383 = arith.constant 0 : i32
      %dma_wait3A_384 = arith.constant 0 : i32
      %dma_wait3A_385 = tpu.memref_slice %arg4[%dma_wait3A_383, %dma_wait3A_384] : memref<64x1000000xf32, #tpu.memory_space<hbm>> -> memref<64x128xf32, #tpu.memory_space<hbm>>
      tpu.wait_dma2 semaphore(%arg22 : memref<!tpu.dma_semaphore, #tpu.memory_space<semaphore_mem>>) src(%dma_wait3A_385 : memref<64x128xf32, #tpu.memory_space<hbm>>) dst(%arg9 : memref<64x128xf32, #tpu.memory_space<vmem>>)
      %get3A_386 = arith.index_cast %add3A_373 : i32 to index
      %get3A_387 = tpu.vector_load %arg7[%get3A_386] {strides = array<i32>} : memref<528xi32, #tpu.memory_space<vmem>>, vector<16xi32>,
      %get3A_388 = arith.index_cast %add3A_373 : i32 to index
      %get3A_389 = tpu.vector_load %arg8[%get3A_388] {strides = array<i32>} : memref<528xi32, #tpu.memory_space<vmem>>, vector<16xi32>,
      %slice3A_390 = vector.extract_strided_slice %get3A_387 {offsets = [0], sizes = [1], strides = [1]} : vector<16xi32> to vector<1xi32>
      %squeeze3A_391 = vector.extract %slice3A_390[0] : i32 from vector<1xi32>
      %and3A_392 = arith.constant 127 : i32
      %and3A_393 = arith.andi %squeeze3A_391, %and3A_392 : i32
      %broadcast_in_dim3A_394 = vector.broadcast %and3A_393 : i32 to vector<16xi32>
      %slice3A_395 = vector.extract_strided_slice %get3A_389 {offsets = [0], sizes = [1], strides = [1]} : vector<16xi32> to vector<1xi32>
      %squeeze3A_396 = vector.extract %slice3A_395[0] : i32 from vector<1xi32>
      %and3A_397 = arith.constant 127 : i32
      %and3A_398 = arith.andi %squeeze3A_396, %and3A_397 : i32
      %broadcast_in_dim3A_399 = vector.broadcast %and3A_398 : i32 to vector<16xi32>
      %add3A_400 = arith.constant 0 : i32
      %add3A_401 = vector.broadcast %add3A_400 : i32 to vector<16xi32>
      %add3A_402 = arith.addi %iota3A, %add3A_401 : vector<16xi32>
      %gather3A_403 = tpu.vector_load_idx %arg9[%add3A_402, %broadcast_in_dim3A_394] : memref<64x128xf32, #tpu.memory_space<vmem>>[vector<16xi32>, vector<16xi32>], vector<16xf32>,
      %gather3A_404 = tpu.vector_load_idx %arg15[%add3A_402, %broadcast_in_dim3A_399] : memref<64x128xf32, #tpu.memory_space<vmem>>[vector<16xi32>, vector<16xi32>], vector<16xf32>,
      %mul3A_405 = arith.mulf %gather3A_403, %gather3A_404 : vector<16xf32>
      %add3A_406 = arith.constant 16 : i32
      %add3A_407 = vector.broadcast %add3A_406 : i32 to vector<16xi32>
      %add3A_408 = arith.addi %iota3A, %add3A_407 : vector<16xi32>
      %gather3A_409 = tpu.vector_load_idx %arg9[%add3A_408, %broadcast_in_dim3A_394] : memref<64x128xf32, #tpu.memory_space<vmem>>[vector<16xi32>, vector<16xi32>], vector<16xf32>,
      %gather3A_410 = tpu.vector_load_idx %arg15[%add3A_408, %broadcast_in_dim3A_399] : memref<64x128xf32, #tpu.memory_space<vmem>>[vector<16xi32>, vector<16xi32>], vector<16xf32>,
      %mul3A_411 = arith.mulf %gather3A_409, %gather3A_410 : vector<16xf32>
      %add3A_412 = arith.addf %mul3A_405, %mul3A_411 : vector<16xf32>
      %add3A_413 = arith.constant 32 : i32
      %add3A_414 = vector.broadcast %add3A_413 : i32 to vector<16xi32>
      %add3A_415 = arith.addi %iota3A, %add3A_414 : vector<16xi32>
      %gather3A_416 = tpu.vector_load_idx %arg9[%add3A_415, %broadcast_in_dim3A_394] : memref<64x128xf32, #tpu.memory_space<vmem>>[vector<16xi32>, vector<16xi32>], vector<16xf32>,
      %gather3A_417 = tpu.vector_load_idx %arg15[%add3A_415, %broadcast_in_dim3A_399] : memref<64x128xf32, #tpu.memory_space<vmem>>[vector<16xi32>, vector<16xi32>], vector<16xf32>,
      %mul3A_418 = arith.mulf %gather3A_416, %gather3A_417 : vector<16xf32>
      %add3A_419 = arith.addf %add3A_412, %mul3A_418 : vector<16xf32>
      %add3A_420 = arith.constant 48 : i32
      %add3A_421 = vector.broadcast %add3A_420 : i32 to vector<16xi32>
      %add3A_422 = arith.addi %iota3A, %add3A_421 : vector<16xi32>
      %gather3A_423 = tpu.vector_load_idx %arg9[%add3A_422, %broadcast_in_dim3A_394] : memref<64x128xf32, #tpu.memory_space<vmem>>[vector<16xi32>, vector<16xi32>], vector<16xf32>,
      %gather3A_424 = tpu.vector_load_idx %arg15[%add3A_422, %broadcast_in_dim3A_399] : memref<64x128xf32, #tpu.memory_space<vmem>>[vector<16xi32>, vector<16xi32>], vector<16xf32>,
      %mul3A_425 = arith.mulf %gather3A_423, %gather3A_424 : vector<16xf32>
      %add3A_426 = arith.addf %add3A_419, %mul3A_425 : vector<16xf32>
      %and3A_427 = arith.constant 15 : i32
      %and3A_428 = arith.andi %add3A_373, %and3A_427 : i32
      %eq3A_429 = vector.broadcast %and3A_428 : i32 to vector<16xi32>
      %eq3A_430 = arith.cmpi eq, %iota3A, %eq3A_429 : vector<16xi32>
      %reduce_sum3A_431 = arith.constant true
      %reduce_sum3A_432 = vector.broadcast %reduce_sum3A_431 : i1 to vector<16xi1>
      %reduce_sum3A_433 = tpu.scan <sum>, %add3A_426 masked %reduce_sum3A_432 : vector<16xf32>, vector<16xi1> -> vector<16xf32>
      %reduce_sum3A_434 = vector.extract %reduce_sum3A_433[15] : f32 from vector<16xf32>
      %broadcast_in_dim3A_435 = vector.broadcast %reduce_sum3A_434 : f32 to vector<16xf32>
      %select_n3A_436 = arith.select %eq3A_430, %broadcast_in_dim3A_435, %scan3A_369 : vector<16xi1>, vector<16xf32>
      %add3A_437 = arith.constant 6 : i32
      %add3A_438 = arith.addi %add3A_373, %add3A_437 : i32
      %min3A_439 = arith.constant 511 : i32
      %min3A_440 = arith.minsi %add3A_438, %min3A_439 : i32
      %get3A_441 = arith.index_cast %min3A_440 : i32 to index
      %get3A_442 = tpu.vector_load %arg7[%get3A_441] {strides = array<i32>} : memref<528xi32, #tpu.memory_space<vmem>>, vector<16xi32>,
      %get3A_443 = arith.index_cast %min3A_440 : i32 to index
      %get3A_444 = tpu.vector_load %arg8[%get3A_443] {strides = array<i32>} : memref<528xi32, #tpu.memory_space<vmem>>, vector<16xi32>,
      %slice3A_445 = vector.extract_strided_slice %get3A_442 {offsets = [0], sizes = [1], strides = [1]} : vector<16xi32> to vector<1xi32>
      %squeeze3A_446 = vector.extract %slice3A_445[0] : i32 from vector<1xi32>
      %shift_right_arithmetic3A_447 = arith.constant 7 : i32
      %shift_right_arithmetic3A_448 = arith.shrsi %squeeze3A_446, %shift_right_arithmetic3A_447 : i32
      %mul3A_449 = arith.constant 128 : i32
      %mul3A_450 = arith.muli %shift_right_arithmetic3A_448, %mul3A_449 : i32
      %multiple_of3A_451 = tpu.assume_multiple %mul3A_450, 128 : i32
      %slice3A_452 = vector.extract_strided_slice %get3A_444 {offsets = [0], sizes = [1], strides = [1]} : vector<16xi32> to vector<1xi32>
      %squeeze3A_453 = vector.extract %slice3A_452[0] : i32 from vector<1xi32>
      %shift_right_arithmetic3A_454 = arith.constant 7 : i32
      %shift_right_arithmetic3A_455 = arith.shrsi %squeeze3A_453, %shift_right_arithmetic3A_454 : i32
      %mul3A_456 = arith.constant 128 : i32
      %mul3A_457 = arith.muli %shift_right_arithmetic3A_455, %mul3A_456 : i32
      %multiple_of3A_458 = tpu.assume_multiple %mul3A_457, 128 : i32
      %dma_start3A_459 = arith.constant 0 : i32
      %dma_start3A_460 = tpu.memref_slice %arg4[%dma_start3A_459, %multiple_of3A_451] : memref<64x1000000xf32, #tpu.memory_space<hbm>> -> memref<64x128xf32, #tpu.memory_space<hbm>>
      %dma_start3A_461 = arith.constant 0 : i32
      %dma_start3A_462 = tpu.memref_slice %arg4[%dma_start3A_461, %multiple_of3A_451] : memref<64x1000000xf32, #tpu.memory_space<hbm>> -> memref<64x128xf32, #tpu.memory_space<hbm>>
      tpu.enqueue_dma source(%dma_start3A_462 : memref<64x128xf32, #tpu.memory_space<hbm>>) target(%arg9 : memref<64x128xf32, #tpu.memory_space<vmem>>) target_semaphore(%arg22 : memref<!tpu.dma_semaphore, #tpu.memory_space<semaphore_mem>>)
      %dma_start3A_463 = arith.constant 0 : i32
      %dma_start3A_464 = tpu.memref_slice %arg5[%dma_start3A_463, %multiple_of3A_458] : memref<64x1000000xf32, #tpu.memory_space<hbm>> -> memref<64x128xf32, #tpu.memory_space<hbm>>
      %dma_start3A_465 = arith.constant 0 : i32
      %dma_start3A_466 = tpu.memref_slice %arg5[%dma_start3A_465, %multiple_of3A_458] : memref<64x1000000xf32, #tpu.memory_space<hbm>> -> memref<64x128xf32, #tpu.memory_space<hbm>>
      tpu.enqueue_dma source(%dma_start3A_466 : memref<64x128xf32, #tpu.memory_space<hbm>>) target(%arg15 : memref<64x128xf32, #tpu.memory_space<vmem>>) target_semaphore(%arg22 : memref<!tpu.dma_semaphore, #tpu.memory_space<semaphore_mem>>)
      %and3A_467 = arith.constant 15 : i32
      %and3A_468 = arith.andi %add3A_373, %and3A_467 : i32
      %eq3A_469 = arith.constant 15 : i32
      %eq3A_470 = arith.cmpi eq, %and3A_468, %eq3A_469 : i32
      %convert_element_type3A_471 = arith.extui %eq3A_470 : i1 to i32
      %cond3A_472 = arith.constant 0 : i32
      %cond3A_473 = arith.cmpi ne, %convert_element_type3A_471, %cond3A_472 : i32
      scf.if %cond3A_473 {
        %neg3A = arith.constant 0.000000e+00 : f32
        %neg3A_1000 = vector.broadcast %neg3A : f32 to vector<16xf32>
        %neg3A_1001 = arith.subf %neg3A_1000, %select_n3A_436 : vector<16xf32>
        %exp3A = math.exp %neg3A_1001 : vector<16xf32>
        %add3A_1002 = arith.constant 1.000000e+00 : f32
        %add3A_1003 = vector.broadcast %add3A_1002 : f32 to vector<16xf32>
        %add3A_1004 = arith.addf %add3A_1003, %exp3A : vector<16xf32>
        %div3A = arith.constant 1.000000e+00 : f32
        %div3A_1005 = vector.broadcast %div3A : f32 to vector<16xf32>
        %div3A_1006 = arith.divf %div3A_1005, %add3A_1004 : vector<16xf32>
        %shift_right_arithmetic3A_1007 = arith.constant 4 : i32
        %shift_right_arithmetic3A_1008 = arith.shrsi %add3A_373, %shift_right_arithmetic3A_1007 : i32
        %mul3A_1009 = arith.constant 16 : i32
        %mul3A_1010 = arith.muli %shift_right_arithmetic3A_1008, %mul3A_1009 : i32
        %swap3A = arith.index_cast %mul3A_1010 : i32 to index
        %swap3A_1011 = tpu.vector_load %arg21[%swap3A] {strides = array<i32>} : memref<512xf32, #tpu.memory_space<vmem>>, vector<16xf32>,
        tpu.vector_store %arg21[%swap3A], %div3A_1006 {strides = array<i32>} : memref<512xf32, #tpu.memory_space<vmem>>, vector<16xf32>,
      } else {
      }
      %select_n3A_474 = arith.select %eq3A_470, %broadcast_in_dim3A_3, %select_n3A_436 : vector<16xf32>
      %mul3A_475 = arith.constant 6 : i32
      %mul3A_476 = arith.muli %mul3A_475, %scan3A_368 : i32
      %add3A_477 = arith.constant 1 : i32
      %add3A_478 = arith.addi %mul3A_476, %add3A_477 : i32
      %dma_wait3A_479 = arith.constant 0 : i32
      %dma_wait3A_480 = arith.constant 0 : i32
      %dma_wait3A_481 = tpu.memref_slice %arg4[%dma_wait3A_479, %dma_wait3A_480] : memref<64x1000000xf32, #tpu.memory_space<hbm>> -> memref<64x128xf32, #tpu.memory_space<hbm>>
      %dma_wait3A_482 = arith.constant 0 : i32
      %dma_wait3A_483 = arith.constant 0 : i32
      %dma_wait3A_484 = tpu.memref_slice %arg4[%dma_wait3A_482, %dma_wait3A_483] : memref<64x1000000xf32, #tpu.memory_space<hbm>> -> memref<64x128xf32, #tpu.memory_space<hbm>>
      tpu.wait_dma2 semaphore(%arg23 : memref<!tpu.dma_semaphore, #tpu.memory_space<semaphore_mem>>) src(%dma_wait3A_484 : memref<64x128xf32, #tpu.memory_space<hbm>>) dst(%arg9 : memref<64x128xf32, #tpu.memory_space<vmem>>)
      %dma_wait3A_485 = arith.constant 0 : i32
      %dma_wait3A_486 = arith.constant 0 : i32
      %dma_wait3A_487 = tpu.memref_slice %arg4[%dma_wait3A_485, %dma_wait3A_486] : memref<64x1000000xf32, #tpu.memory_space<hbm>> -> memref<64x128xf32, #tpu.memory_space<hbm>>
      %dma_wait3A_488 = arith.constant 0 : i32
      %dma_wait3A_489 = arith.constant 0 : i32
      %dma_wait3A_490 = tpu.memref_slice %arg4[%dma_wait3A_488, %dma_wait3A_489] : memref<64x1000000xf32, #tpu.memory_space<hbm>> -> memref<64x128xf32, #tpu.memory_space<hbm>>
      tpu.wait_dma2 semaphore(%arg23 : memref<!tpu.dma_semaphore, #tpu.memory_space<semaphore_mem>>) src(%dma_wait3A_490 : memref<64x128xf32, #tpu.memory_space<hbm>>) dst(%arg9 : memref<64x128xf32, #tpu.memory_space<vmem>>)
      %get3A_491 = arith.index_cast %add3A_478 : i32 to index
      %get3A_492 = tpu.vector_load %arg7[%get3A_491] {strides = array<i32>} : memref<528xi32, #tpu.memory_space<vmem>>, vector<16xi32>,
      %get3A_493 = arith.index_cast %add3A_478 : i32 to index
      %get3A_494 = tpu.vector_load %arg8[%get3A_493] {strides = array<i32>} : memref<528xi32, #tpu.memory_space<vmem>>, vector<16xi32>,
      %slice3A_495 = vector.extract_strided_slice %get3A_492 {offsets = [0], sizes = [1], strides = [1]} : vector<16xi32> to vector<1xi32>
      %squeeze3A_496 = vector.extract %slice3A_495[0] : i32 from vector<1xi32>
      %and3A_497 = arith.constant 127 : i32
      %and3A_498 = arith.andi %squeeze3A_496, %and3A_497 : i32
      %broadcast_in_dim3A_499 = vector.broadcast %and3A_498 : i32 to vector<16xi32>
      %slice3A_500 = vector.extract_strided_slice %get3A_494 {offsets = [0], sizes = [1], strides = [1]} : vector<16xi32> to vector<1xi32>
      %squeeze3A_501 = vector.extract %slice3A_500[0] : i32 from vector<1xi32>
      %and3A_502 = arith.constant 127 : i32
      %and3A_503 = arith.andi %squeeze3A_501, %and3A_502 : i32
      %broadcast_in_dim3A_504 = vector.broadcast %and3A_503 : i32 to vector<16xi32>
      %add3A_505 = arith.constant 0 : i32
      %add3A_506 = vector.broadcast %add3A_505 : i32 to vector<16xi32>
      %add3A_507 = arith.addi %iota3A, %add3A_506 : vector<16xi32>
      %gather3A_508 = tpu.vector_load_idx %arg10[%add3A_507, %broadcast_in_dim3A_499] : memref<64x128xf32, #tpu.memory_space<vmem>>[vector<16xi32>, vector<16xi32>], vector<16xf32>,
      %gather3A_509 = tpu.vector_load_idx %arg16[%add3A_507, %broadcast_in_dim3A_504] : memref<64x128xf32, #tpu.memory_space<vmem>>[vector<16xi32>, vector<16xi32>], vector<16xf32>,
      %mul3A_510 = arith.mulf %gather3A_508, %gather3A_509 : vector<16xf32>
      %add3A_511 = arith.constant 16 : i32
      %add3A_512 = vector.broadcast %add3A_511 : i32 to vector<16xi32>
      %add3A_513 = arith.addi %iota3A, %add3A_512 : vector<16xi32>
      %gather3A_514 = tpu.vector_load_idx %arg10[%add3A_513, %broadcast_in_dim3A_499] : memref<64x128xf32, #tpu.memory_space<vmem>>[vector<16xi32>, vector<16xi32>], vector<16xf32>,
      %gather3A_515 = tpu.vector_load_idx %arg16[%add3A_513, %broadcast_in_dim3A_504] : memref<64x128xf32, #tpu.memory_space<vmem>>[vector<16xi32>, vector<16xi32>], vector<16xf32>,
      %mul3A_516 = arith.mulf %gather3A_514, %gather3A_515 : vector<16xf32>
      %add3A_517 = arith.addf %mul3A_510, %mul3A_516 : vector<16xf32>
      %add3A_518 = arith.constant 32 : i32
      %add3A_519 = vector.broadcast %add3A_518 : i32 to vector<16xi32>
      %add3A_520 = arith.addi %iota3A, %add3A_519 : vector<16xi32>
      %gather3A_521 = tpu.vector_load_idx %arg10[%add3A_520, %broadcast_in_dim3A_499] : memref<64x128xf32, #tpu.memory_space<vmem>>[vector<16xi32>, vector<16xi32>], vector<16xf32>,
      %gather3A_522 = tpu.vector_load_idx %arg16[%add3A_520, %broadcast_in_dim3A_504] : memref<64x128xf32, #tpu.memory_space<vmem>>[vector<16xi32>, vector<16xi32>], vector<16xf32>,
      %mul3A_523 = arith.mulf %gather3A_521, %gather3A_522 : vector<16xf32>
      %add3A_524 = arith.addf %add3A_517, %mul3A_523 : vector<16xf32>
      %add3A_525 = arith.constant 48 : i32
      %add3A_526 = vector.broadcast %add3A_525 : i32 to vector<16xi32>
      %add3A_527 = arith.addi %iota3A, %add3A_526 : vector<16xi32>
      %gather3A_528 = tpu.vector_load_idx %arg10[%add3A_527, %broadcast_in_dim3A_499] : memref<64x128xf32, #tpu.memory_space<vmem>>[vector<16xi32>, vector<16xi32>], vector<16xf32>,
      %gather3A_529 = tpu.vector_load_idx %arg16[%add3A_527, %broadcast_in_dim3A_504] : memref<64x128xf32, #tpu.memory_space<vmem>>[vector<16xi32>, vector<16xi32>], vector<16xf32>,
      %mul3A_530 = arith.mulf %gather3A_528, %gather3A_529 : vector<16xf32>
      %add3A_531 = arith.addf %add3A_524, %mul3A_530 : vector<16xf32>
      %and3A_532 = arith.constant 15 : i32
      %and3A_533 = arith.andi %add3A_478, %and3A_532 : i32
      %eq3A_534 = vector.broadcast %and3A_533 : i32 to vector<16xi32>
      %eq3A_535 = arith.cmpi eq, %iota3A, %eq3A_534 : vector<16xi32>
      %reduce_sum3A_536 = arith.constant true
      %reduce_sum3A_537 = vector.broadcast %reduce_sum3A_536 : i1 to vector<16xi1>
      %reduce_sum3A_538 = tpu.scan <sum>, %add3A_531 masked %reduce_sum3A_537 : vector<16xf32>, vector<16xi1> -> vector<16xf32>
      %reduce_sum3A_539 = vector.extract %reduce_sum3A_538[15] : f32 from vector<16xf32>
      %broadcast_in_dim3A_540 = vector.broadcast %reduce_sum3A_539 : f32 to vector<16xf32>
      %select_n3A_541 = arith.select %eq3A_535, %broadcast_in_dim3A_540, %select_n3A_474 : vector<16xi1>, vector<16xf32>
      %add3A_542 = arith.constant 6 : i32
      %add3A_543 = arith.addi %add3A_478, %add3A_542 : i32
      %min3A_544 = arith.constant 511 : i32
      %min3A_545 = arith.minsi %add3A_543, %min3A_544 : i32
      %get3A_546 = arith.index_cast %min3A_545 : i32 to index
      %get3A_547 = tpu.vector_load %arg7[%get3A_546] {strides = array<i32>} : memref<528xi32, #tpu.memory_space<vmem>>, vector<16xi32>,
      %get3A_548 = arith.index_cast %min3A_545 : i32 to index
      %get3A_549 = tpu.vector_load %arg8[%get3A_548] {strides = array<i32>} : memref<528xi32, #tpu.memory_space<vmem>>, vector<16xi32>,
      %slice3A_550 = vector.extract_strided_slice %get3A_547 {offsets = [0], sizes = [1], strides = [1]} : vector<16xi32> to vector<1xi32>
      %squeeze3A_551 = vector.extract %slice3A_550[0] : i32 from vector<1xi32>
      %shift_right_arithmetic3A_552 = arith.constant 7 : i32
      %shift_right_arithmetic3A_553 = arith.shrsi %squeeze3A_551, %shift_right_arithmetic3A_552 : i32
      %mul3A_554 = arith.constant 128 : i32
      %mul3A_555 = arith.muli %shift_right_arithmetic3A_553, %mul3A_554 : i32
      %multiple_of3A_556 = tpu.assume_multiple %mul3A_555, 128 : i32
      %slice3A_557 = vector.extract_strided_slice %get3A_549 {offsets = [0], sizes = [1], strides = [1]} : vector<16xi32> to vector<1xi32>
      %squeeze3A_558 = vector.extract %slice3A_557[0] : i32 from vector<1xi32>
      %shift_right_arithmetic3A_559 = arith.constant 7 : i32
      %shift_right_arithmetic3A_560 = arith.shrsi %squeeze3A_558, %shift_right_arithmetic3A_559 : i32
      %mul3A_561 = arith.constant 128 : i32
      %mul3A_562 = arith.muli %shift_right_arithmetic3A_560, %mul3A_561 : i32
      %multiple_of3A_563 = tpu.assume_multiple %mul3A_562, 128 : i32
      %dma_start3A_564 = arith.constant 0 : i32
      %dma_start3A_565 = tpu.memref_slice %arg4[%dma_start3A_564, %multiple_of3A_556] : memref<64x1000000xf32, #tpu.memory_space<hbm>> -> memref<64x128xf32, #tpu.memory_space<hbm>>
      %dma_start3A_566 = arith.constant 0 : i32
      %dma_start3A_567 = tpu.memref_slice %arg4[%dma_start3A_566, %multiple_of3A_556] : memref<64x1000000xf32, #tpu.memory_space<hbm>> -> memref<64x128xf32, #tpu.memory_space<hbm>>
      tpu.enqueue_dma source(%dma_start3A_567 : memref<64x128xf32, #tpu.memory_space<hbm>>) target(%arg10 : memref<64x128xf32, #tpu.memory_space<vmem>>) target_semaphore(%arg23 : memref<!tpu.dma_semaphore, #tpu.memory_space<semaphore_mem>>)
      %dma_start3A_568 = arith.constant 0 : i32
      %dma_start3A_569 = tpu.memref_slice %arg5[%dma_start3A_568, %multiple_of3A_563] : memref<64x1000000xf32, #tpu.memory_space<hbm>> -> memref<64x128xf32, #tpu.memory_space<hbm>>
      %dma_start3A_570 = arith.constant 0 : i32
      %dma_start3A_571 = tpu.memref_slice %arg5[%dma_start3A_570, %multiple_of3A_563] : memref<64x1000000xf32, #tpu.memory_space<hbm>> -> memref<64x128xf32, #tpu.memory_space<hbm>>
      tpu.enqueue_dma source(%dma_start3A_571 : memref<64x128xf32, #tpu.memory_space<hbm>>) target(%arg16 : memref<64x128xf32, #tpu.memory_space<vmem>>) target_semaphore(%arg23 : memref<!tpu.dma_semaphore, #tpu.memory_space<semaphore_mem>>)
      %and3A_572 = arith.constant 15 : i32
      %and3A_573 = arith.andi %add3A_478, %and3A_572 : i32
      %eq3A_574 = arith.constant 15 : i32
      %eq3A_575 = arith.cmpi eq, %and3A_573, %eq3A_574 : i32
      %convert_element_type3A_576 = arith.extui %eq3A_575 : i1 to i32
      %cond3A_577 = arith.constant 0 : i32
      %cond3A_578 = arith.cmpi ne, %convert_element_type3A_576, %cond3A_577 : i32
      scf.if %cond3A_578 {
        %neg3A = arith.constant 0.000000e+00 : f32
        %neg3A_1000 = vector.broadcast %neg3A : f32 to vector<16xf32>
        %neg3A_1001 = arith.subf %neg3A_1000, %select_n3A_541 : vector<16xf32>
        %exp3A = math.exp %neg3A_1001 : vector<16xf32>
        %add3A_1002 = arith.constant 1.000000e+00 : f32
        %add3A_1003 = vector.broadcast %add3A_1002 : f32 to vector<16xf32>
        %add3A_1004 = arith.addf %add3A_1003, %exp3A : vector<16xf32>
        %div3A = arith.constant 1.000000e+00 : f32
        %div3A_1005 = vector.broadcast %div3A : f32 to vector<16xf32>
        %div3A_1006 = arith.divf %div3A_1005, %add3A_1004 : vector<16xf32>
        %shift_right_arithmetic3A_1007 = arith.constant 4 : i32
        %shift_right_arithmetic3A_1008 = arith.shrsi %add3A_478, %shift_right_arithmetic3A_1007 : i32
        %mul3A_1009 = arith.constant 16 : i32
        %mul3A_1010 = arith.muli %shift_right_arithmetic3A_1008, %mul3A_1009 : i32
        %swap3A = arith.index_cast %mul3A_1010 : i32 to index
        %swap3A_1011 = tpu.vector_load %arg21[%swap3A] {strides = array<i32>} : memref<512xf32, #tpu.memory_space<vmem>>, vector<16xf32>,
        tpu.vector_store %arg21[%swap3A], %div3A_1006 {strides = array<i32>} : memref<512xf32, #tpu.memory_space<vmem>>, vector<16xf32>,
      } else {
      }
      %select_n3A_579 = arith.select %eq3A_575, %broadcast_in_dim3A_3, %select_n3A_541 : vector<16xf32>
      %mul3A_580 = arith.constant 6 : i32
      %mul3A_581 = arith.muli %mul3A_580, %scan3A_368 : i32
      %add3A_582 = arith.constant 2 : i32
      %add3A_583 = arith.addi %mul3A_581, %add3A_582 : i32
      %dma_wait3A_584 = arith.constant 0 : i32
      %dma_wait3A_585 = arith.constant 0 : i32
      %dma_wait3A_586 = tpu.memref_slice %arg4[%dma_wait3A_584, %dma_wait3A_585] : memref<64x1000000xf32, #tpu.memory_space<hbm>> -> memref<64x128xf32, #tpu.memory_space<hbm>>
      %dma_wait3A_587 = arith.constant 0 : i32
      %dma_wait3A_588 = arith.constant 0 : i32
      %dma_wait3A_589 = tpu.memref_slice %arg4[%dma_wait3A_587, %dma_wait3A_588] : memref<64x1000000xf32, #tpu.memory_space<hbm>> -> memref<64x128xf32, #tpu.memory_space<hbm>>
      tpu.wait_dma2 semaphore(%arg24 : memref<!tpu.dma_semaphore, #tpu.memory_space<semaphore_mem>>) src(%dma_wait3A_589 : memref<64x128xf32, #tpu.memory_space<hbm>>) dst(%arg9 : memref<64x128xf32, #tpu.memory_space<vmem>>)
      %dma_wait3A_590 = arith.constant 0 : i32
      %dma_wait3A_591 = arith.constant 0 : i32
      %dma_wait3A_592 = tpu.memref_slice %arg4[%dma_wait3A_590, %dma_wait3A_591] : memref<64x1000000xf32, #tpu.memory_space<hbm>> -> memref<64x128xf32, #tpu.memory_space<hbm>>
      %dma_wait3A_593 = arith.constant 0 : i32
      %dma_wait3A_594 = arith.constant 0 : i32
      %dma_wait3A_595 = tpu.memref_slice %arg4[%dma_wait3A_593, %dma_wait3A_594] : memref<64x1000000xf32, #tpu.memory_space<hbm>> -> memref<64x128xf32, #tpu.memory_space<hbm>>
      tpu.wait_dma2 semaphore(%arg24 : memref<!tpu.dma_semaphore, #tpu.memory_space<semaphore_mem>>) src(%dma_wait3A_595 : memref<64x128xf32, #tpu.memory_space<hbm>>) dst(%arg9 : memref<64x128xf32, #tpu.memory_space<vmem>>)
      %get3A_596 = arith.index_cast %add3A_583 : i32 to index
      %get3A_597 = tpu.vector_load %arg7[%get3A_596] {strides = array<i32>} : memref<528xi32, #tpu.memory_space<vmem>>, vector<16xi32>,
      %get3A_598 = arith.index_cast %add3A_583 : i32 to index
      %get3A_599 = tpu.vector_load %arg8[%get3A_598] {strides = array<i32>} : memref<528xi32, #tpu.memory_space<vmem>>, vector<16xi32>,
      %slice3A_600 = vector.extract_strided_slice %get3A_597 {offsets = [0], sizes = [1], strides = [1]} : vector<16xi32> to vector<1xi32>
      %squeeze3A_601 = vector.extract %slice3A_600[0] : i32 from vector<1xi32>
      %and3A_602 = arith.constant 127 : i32
      %and3A_603 = arith.andi %squeeze3A_601, %and3A_602 : i32
      %broadcast_in_dim3A_604 = vector.broadcast %and3A_603 : i32 to vector<16xi32>
      %slice3A_605 = vector.extract_strided_slice %get3A_599 {offsets = [0], sizes = [1], strides = [1]} : vector<16xi32> to vector<1xi32>
      %squeeze3A_606 = vector.extract %slice3A_605[0] : i32 from vector<1xi32>
      %and3A_607 = arith.constant 127 : i32
      %and3A_608 = arith.andi %squeeze3A_606, %and3A_607 : i32
      %broadcast_in_dim3A_609 = vector.broadcast %and3A_608 : i32 to vector<16xi32>
      %add3A_610 = arith.constant 0 : i32
      %add3A_611 = vector.broadcast %add3A_610 : i32 to vector<16xi32>
      %add3A_612 = arith.addi %iota3A, %add3A_611 : vector<16xi32>
      %gather3A_613 = tpu.vector_load_idx %arg11[%add3A_612, %broadcast_in_dim3A_604] : memref<64x128xf32, #tpu.memory_space<vmem>>[vector<16xi32>, vector<16xi32>], vector<16xf32>,
      %gather3A_614 = tpu.vector_load_idx %arg17[%add3A_612, %broadcast_in_dim3A_609] : memref<64x128xf32, #tpu.memory_space<vmem>>[vector<16xi32>, vector<16xi32>], vector<16xf32>,
      %mul3A_615 = arith.mulf %gather3A_613, %gather3A_614 : vector<16xf32>
      %add3A_616 = arith.constant 16 : i32
      %add3A_617 = vector.broadcast %add3A_616 : i32 to vector<16xi32>
      %add3A_618 = arith.addi %iota3A, %add3A_617 : vector<16xi32>
      %gather3A_619 = tpu.vector_load_idx %arg11[%add3A_618, %broadcast_in_dim3A_604] : memref<64x128xf32, #tpu.memory_space<vmem>>[vector<16xi32>, vector<16xi32>], vector<16xf32>,
      %gather3A_620 = tpu.vector_load_idx %arg17[%add3A_618, %broadcast_in_dim3A_609] : memref<64x128xf32, #tpu.memory_space<vmem>>[vector<16xi32>, vector<16xi32>], vector<16xf32>,
      %mul3A_621 = arith.mulf %gather3A_619, %gather3A_620 : vector<16xf32>
      %add3A_622 = arith.addf %mul3A_615, %mul3A_621 : vector<16xf32>
      %add3A_623 = arith.constant 32 : i32
      %add3A_624 = vector.broadcast %add3A_623 : i32 to vector<16xi32>
      %add3A_625 = arith.addi %iota3A, %add3A_624 : vector<16xi32>
      %gather3A_626 = tpu.vector_load_idx %arg11[%add3A_625, %broadcast_in_dim3A_604] : memref<64x128xf32, #tpu.memory_space<vmem>>[vector<16xi32>, vector<16xi32>], vector<16xf32>,
      %gather3A_627 = tpu.vector_load_idx %arg17[%add3A_625, %broadcast_in_dim3A_609] : memref<64x128xf32, #tpu.memory_space<vmem>>[vector<16xi32>, vector<16xi32>], vector<16xf32>,
      %mul3A_628 = arith.mulf %gather3A_626, %gather3A_627 : vector<16xf32>
      %add3A_629 = arith.addf %add3A_622, %mul3A_628 : vector<16xf32>
      %add3A_630 = arith.constant 48 : i32
      %add3A_631 = vector.broadcast %add3A_630 : i32 to vector<16xi32>
      %add3A_632 = arith.addi %iota3A, %add3A_631 : vector<16xi32>
      %gather3A_633 = tpu.vector_load_idx %arg11[%add3A_632, %broadcast_in_dim3A_604] : memref<64x128xf32, #tpu.memory_space<vmem>>[vector<16xi32>, vector<16xi32>], vector<16xf32>,
      %gather3A_634 = tpu.vector_load_idx %arg17[%add3A_632, %broadcast_in_dim3A_609] : memref<64x128xf32, #tpu.memory_space<vmem>>[vector<16xi32>, vector<16xi32>], vector<16xf32>,
      %mul3A_635 = arith.mulf %gather3A_633, %gather3A_634 : vector<16xf32>
      %add3A_636 = arith.addf %add3A_629, %mul3A_635 : vector<16xf32>
      %and3A_637 = arith.constant 15 : i32
      %and3A_638 = arith.andi %add3A_583, %and3A_637 : i32
      %eq3A_639 = vector.broadcast %and3A_638 : i32 to vector<16xi32>
      %eq3A_640 = arith.cmpi eq, %iota3A, %eq3A_639 : vector<16xi32>
      %reduce_sum3A_641 = arith.constant true
      %reduce_sum3A_642 = vector.broadcast %reduce_sum3A_641 : i1 to vector<16xi1>
      %reduce_sum3A_643 = tpu.scan <sum>, %add3A_636 masked %reduce_sum3A_642 : vector<16xf32>, vector<16xi1> -> vector<16xf32>
      %reduce_sum3A_644 = vector.extract %reduce_sum3A_643[15] : f32 from vector<16xf32>
      %broadcast_in_dim3A_645 = vector.broadcast %reduce_sum3A_644 : f32 to vector<16xf32>
      %select_n3A_646 = arith.select %eq3A_640, %broadcast_in_dim3A_645, %select_n3A_579 : vector<16xi1>, vector<16xf32>
      %add3A_647 = arith.constant 6 : i32
      %add3A_648 = arith.addi %add3A_583, %add3A_647 : i32
      %min3A_649 = arith.constant 511 : i32
      %min3A_650 = arith.minsi %add3A_648, %min3A_649 : i32
      %get3A_651 = arith.index_cast %min3A_650 : i32 to index
      %get3A_652 = tpu.vector_load %arg7[%get3A_651] {strides = array<i32>} : memref<528xi32, #tpu.memory_space<vmem>>, vector<16xi32>,
      %get3A_653 = arith.index_cast %min3A_650 : i32 to index
      %get3A_654 = tpu.vector_load %arg8[%get3A_653] {strides = array<i32>} : memref<528xi32, #tpu.memory_space<vmem>>, vector<16xi32>,
      %slice3A_655 = vector.extract_strided_slice %get3A_652 {offsets = [0], sizes = [1], strides = [1]} : vector<16xi32> to vector<1xi32>
      %squeeze3A_656 = vector.extract %slice3A_655[0] : i32 from vector<1xi32>
      %shift_right_arithmetic3A_657 = arith.constant 7 : i32
      %shift_right_arithmetic3A_658 = arith.shrsi %squeeze3A_656, %shift_right_arithmetic3A_657 : i32
      %mul3A_659 = arith.constant 128 : i32
      %mul3A_660 = arith.muli %shift_right_arithmetic3A_658, %mul3A_659 : i32
      %multiple_of3A_661 = tpu.assume_multiple %mul3A_660, 128 : i32
      %slice3A_662 = vector.extract_strided_slice %get3A_654 {offsets = [0], sizes = [1], strides = [1]} : vector<16xi32> to vector<1xi32>
      %squeeze3A_663 = vector.extract %slice3A_662[0] : i32 from vector<1xi32>
      %shift_right_arithmetic3A_664 = arith.constant 7 : i32
      %shift_right_arithmetic3A_665 = arith.shrsi %squeeze3A_663, %shift_right_arithmetic3A_664 : i32
      %mul3A_666 = arith.constant 128 : i32
      %mul3A_667 = arith.muli %shift_right_arithmetic3A_665, %mul3A_666 : i32
      %multiple_of3A_668 = tpu.assume_multiple %mul3A_667, 128 : i32
      %dma_start3A_669 = arith.constant 0 : i32
      %dma_start3A_670 = tpu.memref_slice %arg4[%dma_start3A_669, %multiple_of3A_661] : memref<64x1000000xf32, #tpu.memory_space<hbm>> -> memref<64x128xf32, #tpu.memory_space<hbm>>
      %dma_start3A_671 = arith.constant 0 : i32
      %dma_start3A_672 = tpu.memref_slice %arg4[%dma_start3A_671, %multiple_of3A_661] : memref<64x1000000xf32, #tpu.memory_space<hbm>> -> memref<64x128xf32, #tpu.memory_space<hbm>>
      tpu.enqueue_dma source(%dma_start3A_672 : memref<64x128xf32, #tpu.memory_space<hbm>>) target(%arg11 : memref<64x128xf32, #tpu.memory_space<vmem>>) target_semaphore(%arg24 : memref<!tpu.dma_semaphore, #tpu.memory_space<semaphore_mem>>)
      %dma_start3A_673 = arith.constant 0 : i32
      %dma_start3A_674 = tpu.memref_slice %arg5[%dma_start3A_673, %multiple_of3A_668] : memref<64x1000000xf32, #tpu.memory_space<hbm>> -> memref<64x128xf32, #tpu.memory_space<hbm>>
      %dma_start3A_675 = arith.constant 0 : i32
      %dma_start3A_676 = tpu.memref_slice %arg5[%dma_start3A_675, %multiple_of3A_668] : memref<64x1000000xf32, #tpu.memory_space<hbm>> -> memref<64x128xf32, #tpu.memory_space<hbm>>
      tpu.enqueue_dma source(%dma_start3A_676 : memref<64x128xf32, #tpu.memory_space<hbm>>) target(%arg17 : memref<64x128xf32, #tpu.memory_space<vmem>>) target_semaphore(%arg24 : memref<!tpu.dma_semaphore, #tpu.memory_space<semaphore_mem>>)
      %and3A_677 = arith.constant 15 : i32
      %and3A_678 = arith.andi %add3A_583, %and3A_677 : i32
      %eq3A_679 = arith.constant 15 : i32
      %eq3A_680 = arith.cmpi eq, %and3A_678, %eq3A_679 : i32
      %convert_element_type3A_681 = arith.extui %eq3A_680 : i1 to i32
      %cond3A_682 = arith.constant 0 : i32
      %cond3A_683 = arith.cmpi ne, %convert_element_type3A_681, %cond3A_682 : i32
      scf.if %cond3A_683 {
        %neg3A = arith.constant 0.000000e+00 : f32
        %neg3A_1000 = vector.broadcast %neg3A : f32 to vector<16xf32>
        %neg3A_1001 = arith.subf %neg3A_1000, %select_n3A_646 : vector<16xf32>
        %exp3A = math.exp %neg3A_1001 : vector<16xf32>
        %add3A_1002 = arith.constant 1.000000e+00 : f32
        %add3A_1003 = vector.broadcast %add3A_1002 : f32 to vector<16xf32>
        %add3A_1004 = arith.addf %add3A_1003, %exp3A : vector<16xf32>
        %div3A = arith.constant 1.000000e+00 : f32
        %div3A_1005 = vector.broadcast %div3A : f32 to vector<16xf32>
        %div3A_1006 = arith.divf %div3A_1005, %add3A_1004 : vector<16xf32>
        %shift_right_arithmetic3A_1007 = arith.constant 4 : i32
        %shift_right_arithmetic3A_1008 = arith.shrsi %add3A_583, %shift_right_arithmetic3A_1007 : i32
        %mul3A_1009 = arith.constant 16 : i32
        %mul3A_1010 = arith.muli %shift_right_arithmetic3A_1008, %mul3A_1009 : i32
        %swap3A = arith.index_cast %mul3A_1010 : i32 to index
        %swap3A_1011 = tpu.vector_load %arg21[%swap3A] {strides = array<i32>} : memref<512xf32, #tpu.memory_space<vmem>>, vector<16xf32>,
        tpu.vector_store %arg21[%swap3A], %div3A_1006 {strides = array<i32>} : memref<512xf32, #tpu.memory_space<vmem>>, vector<16xf32>,
      } else {
      }
      %select_n3A_684 = arith.select %eq3A_680, %broadcast_in_dim3A_3, %select_n3A_646 : vector<16xf32>
      %mul3A_685 = arith.constant 6 : i32
      %mul3A_686 = arith.muli %mul3A_685, %scan3A_368 : i32
      %add3A_687 = arith.constant 3 : i32
      %add3A_688 = arith.addi %mul3A_686, %add3A_687 : i32
      %dma_wait3A_689 = arith.constant 0 : i32
      %dma_wait3A_690 = arith.constant 0 : i32
      %dma_wait3A_691 = tpu.memref_slice %arg4[%dma_wait3A_689, %dma_wait3A_690] : memref<64x1000000xf32, #tpu.memory_space<hbm>> -> memref<64x128xf32, #tpu.memory_space<hbm>>
      %dma_wait3A_692 = arith.constant 0 : i32
      %dma_wait3A_693 = arith.constant 0 : i32
      %dma_wait3A_694 = tpu.memref_slice %arg4[%dma_wait3A_692, %dma_wait3A_693] : memref<64x1000000xf32, #tpu.memory_space<hbm>> -> memref<64x128xf32, #tpu.memory_space<hbm>>
      tpu.wait_dma2 semaphore(%arg25 : memref<!tpu.dma_semaphore, #tpu.memory_space<semaphore_mem>>) src(%dma_wait3A_694 : memref<64x128xf32, #tpu.memory_space<hbm>>) dst(%arg9 : memref<64x128xf32, #tpu.memory_space<vmem>>)
      %dma_wait3A_695 = arith.constant 0 : i32
      %dma_wait3A_696 = arith.constant 0 : i32
      %dma_wait3A_697 = tpu.memref_slice %arg4[%dma_wait3A_695, %dma_wait3A_696] : memref<64x1000000xf32, #tpu.memory_space<hbm>> -> memref<64x128xf32, #tpu.memory_space<hbm>>
      %dma_wait3A_698 = arith.constant 0 : i32
      %dma_wait3A_699 = arith.constant 0 : i32
      %dma_wait3A_700 = tpu.memref_slice %arg4[%dma_wait3A_698, %dma_wait3A_699] : memref<64x1000000xf32, #tpu.memory_space<hbm>> -> memref<64x128xf32, #tpu.memory_space<hbm>>
      tpu.wait_dma2 semaphore(%arg25 : memref<!tpu.dma_semaphore, #tpu.memory_space<semaphore_mem>>) src(%dma_wait3A_700 : memref<64x128xf32, #tpu.memory_space<hbm>>) dst(%arg9 : memref<64x128xf32, #tpu.memory_space<vmem>>)
      %get3A_701 = arith.index_cast %add3A_688 : i32 to index
      %get3A_702 = tpu.vector_load %arg7[%get3A_701] {strides = array<i32>} : memref<528xi32, #tpu.memory_space<vmem>>, vector<16xi32>,
      %get3A_703 = arith.index_cast %add3A_688 : i32 to index
      %get3A_704 = tpu.vector_load %arg8[%get3A_703] {strides = array<i32>} : memref<528xi32, #tpu.memory_space<vmem>>, vector<16xi32>,
      %slice3A_705 = vector.extract_strided_slice %get3A_702 {offsets = [0], sizes = [1], strides = [1]} : vector<16xi32> to vector<1xi32>
      %squeeze3A_706 = vector.extract %slice3A_705[0] : i32 from vector<1xi32>
      %and3A_707 = arith.constant 127 : i32
      %and3A_708 = arith.andi %squeeze3A_706, %and3A_707 : i32
      %broadcast_in_dim3A_709 = vector.broadcast %and3A_708 : i32 to vector<16xi32>
      %slice3A_710 = vector.extract_strided_slice %get3A_704 {offsets = [0], sizes = [1], strides = [1]} : vector<16xi32> to vector<1xi32>
      %squeeze3A_711 = vector.extract %slice3A_710[0] : i32 from vector<1xi32>
      %and3A_712 = arith.constant 127 : i32
      %and3A_713 = arith.andi %squeeze3A_711, %and3A_712 : i32
      %broadcast_in_dim3A_714 = vector.broadcast %and3A_713 : i32 to vector<16xi32>
      %add3A_715 = arith.constant 0 : i32
      %add3A_716 = vector.broadcast %add3A_715 : i32 to vector<16xi32>
      %add3A_717 = arith.addi %iota3A, %add3A_716 : vector<16xi32>
      %gather3A_718 = tpu.vector_load_idx %arg12[%add3A_717, %broadcast_in_dim3A_709] : memref<64x128xf32, #tpu.memory_space<vmem>>[vector<16xi32>, vector<16xi32>], vector<16xf32>,
      %gather3A_719 = tpu.vector_load_idx %arg18[%add3A_717, %broadcast_in_dim3A_714] : memref<64x128xf32, #tpu.memory_space<vmem>>[vector<16xi32>, vector<16xi32>], vector<16xf32>,
      %mul3A_720 = arith.mulf %gather3A_718, %gather3A_719 : vector<16xf32>
      %add3A_721 = arith.constant 16 : i32
      %add3A_722 = vector.broadcast %add3A_721 : i32 to vector<16xi32>
      %add3A_723 = arith.addi %iota3A, %add3A_722 : vector<16xi32>
      %gather3A_724 = tpu.vector_load_idx %arg12[%add3A_723, %broadcast_in_dim3A_709] : memref<64x128xf32, #tpu.memory_space<vmem>>[vector<16xi32>, vector<16xi32>], vector<16xf32>,
      %gather3A_725 = tpu.vector_load_idx %arg18[%add3A_723, %broadcast_in_dim3A_714] : memref<64x128xf32, #tpu.memory_space<vmem>>[vector<16xi32>, vector<16xi32>], vector<16xf32>,
      %mul3A_726 = arith.mulf %gather3A_724, %gather3A_725 : vector<16xf32>
      %add3A_727 = arith.addf %mul3A_720, %mul3A_726 : vector<16xf32>
      %add3A_728 = arith.constant 32 : i32
      %add3A_729 = vector.broadcast %add3A_728 : i32 to vector<16xi32>
      %add3A_730 = arith.addi %iota3A, %add3A_729 : vector<16xi32>
      %gather3A_731 = tpu.vector_load_idx %arg12[%add3A_730, %broadcast_in_dim3A_709] : memref<64x128xf32, #tpu.memory_space<vmem>>[vector<16xi32>, vector<16xi32>], vector<16xf32>,
      %gather3A_732 = tpu.vector_load_idx %arg18[%add3A_730, %broadcast_in_dim3A_714] : memref<64x128xf32, #tpu.memory_space<vmem>>[vector<16xi32>, vector<16xi32>], vector<16xf32>,
      %mul3A_733 = arith.mulf %gather3A_731, %gather3A_732 : vector<16xf32>
      %add3A_734 = arith.addf %add3A_727, %mul3A_733 : vector<16xf32>
      %add3A_735 = arith.constant 48 : i32
      %add3A_736 = vector.broadcast %add3A_735 : i32 to vector<16xi32>
      %add3A_737 = arith.addi %iota3A, %add3A_736 : vector<16xi32>
      %gather3A_738 = tpu.vector_load_idx %arg12[%add3A_737, %broadcast_in_dim3A_709] : memref<64x128xf32, #tpu.memory_space<vmem>>[vector<16xi32>, vector<16xi32>], vector<16xf32>,
      %gather3A_739 = tpu.vector_load_idx %arg18[%add3A_737, %broadcast_in_dim3A_714] : memref<64x128xf32, #tpu.memory_space<vmem>>[vector<16xi32>, vector<16xi32>], vector<16xf32>,
      %mul3A_740 = arith.mulf %gather3A_738, %gather3A_739 : vector<16xf32>
      %add3A_741 = arith.addf %add3A_734, %mul3A_740 : vector<16xf32>
      %and3A_742 = arith.constant 15 : i32
      %and3A_743 = arith.andi %add3A_688, %and3A_742 : i32
      %eq3A_744 = vector.broadcast %and3A_743 : i32 to vector<16xi32>
      %eq3A_745 = arith.cmpi eq, %iota3A, %eq3A_744 : vector<16xi32>
      %reduce_sum3A_746 = arith.constant true
      %reduce_sum3A_747 = vector.broadcast %reduce_sum3A_746 : i1 to vector<16xi1>
      %reduce_sum3A_748 = tpu.scan <sum>, %add3A_741 masked %reduce_sum3A_747 : vector<16xf32>, vector<16xi1> -> vector<16xf32>
      %reduce_sum3A_749 = vector.extract %reduce_sum3A_748[15] : f32 from vector<16xf32>
      %broadcast_in_dim3A_750 = vector.broadcast %reduce_sum3A_749 : f32 to vector<16xf32>
      %select_n3A_751 = arith.select %eq3A_745, %broadcast_in_dim3A_750, %select_n3A_684 : vector<16xi1>, vector<16xf32>
      %add3A_752 = arith.constant 6 : i32
      %add3A_753 = arith.addi %add3A_688, %add3A_752 : i32
      %min3A_754 = arith.constant 511 : i32
      %min3A_755 = arith.minsi %add3A_753, %min3A_754 : i32
      %get3A_756 = arith.index_cast %min3A_755 : i32 to index
      %get3A_757 = tpu.vector_load %arg7[%get3A_756] {strides = array<i32>} : memref<528xi32, #tpu.memory_space<vmem>>, vector<16xi32>,
      %get3A_758 = arith.index_cast %min3A_755 : i32 to index
      %get3A_759 = tpu.vector_load %arg8[%get3A_758] {strides = array<i32>} : memref<528xi32, #tpu.memory_space<vmem>>, vector<16xi32>,
      %slice3A_760 = vector.extract_strided_slice %get3A_757 {offsets = [0], sizes = [1], strides = [1]} : vector<16xi32> to vector<1xi32>
      %squeeze3A_761 = vector.extract %slice3A_760[0] : i32 from vector<1xi32>
      %shift_right_arithmetic3A_762 = arith.constant 7 : i32
      %shift_right_arithmetic3A_763 = arith.shrsi %squeeze3A_761, %shift_right_arithmetic3A_762 : i32
      %mul3A_764 = arith.constant 128 : i32
      %mul3A_765 = arith.muli %shift_right_arithmetic3A_763, %mul3A_764 : i32
      %multiple_of3A_766 = tpu.assume_multiple %mul3A_765, 128 : i32
      %slice3A_767 = vector.extract_strided_slice %get3A_759 {offsets = [0], sizes = [1], strides = [1]} : vector<16xi32> to vector<1xi32>
      %squeeze3A_768 = vector.extract %slice3A_767[0] : i32 from vector<1xi32>
      %shift_right_arithmetic3A_769 = arith.constant 7 : i32
      %shift_right_arithmetic3A_770 = arith.shrsi %squeeze3A_768, %shift_right_arithmetic3A_769 : i32
      %mul3A_771 = arith.constant 128 : i32
      %mul3A_772 = arith.muli %shift_right_arithmetic3A_770, %mul3A_771 : i32
      %multiple_of3A_773 = tpu.assume_multiple %mul3A_772, 128 : i32
      %dma_start3A_774 = arith.constant 0 : i32
      %dma_start3A_775 = tpu.memref_slice %arg4[%dma_start3A_774, %multiple_of3A_766] : memref<64x1000000xf32, #tpu.memory_space<hbm>> -> memref<64x128xf32, #tpu.memory_space<hbm>>
      %dma_start3A_776 = arith.constant 0 : i32
      %dma_start3A_777 = tpu.memref_slice %arg4[%dma_start3A_776, %multiple_of3A_766] : memref<64x1000000xf32, #tpu.memory_space<hbm>> -> memref<64x128xf32, #tpu.memory_space<hbm>>
      tpu.enqueue_dma source(%dma_start3A_777 : memref<64x128xf32, #tpu.memory_space<hbm>>) target(%arg12 : memref<64x128xf32, #tpu.memory_space<vmem>>) target_semaphore(%arg25 : memref<!tpu.dma_semaphore, #tpu.memory_space<semaphore_mem>>)
      %dma_start3A_778 = arith.constant 0 : i32
      %dma_start3A_779 = tpu.memref_slice %arg5[%dma_start3A_778, %multiple_of3A_773] : memref<64x1000000xf32, #tpu.memory_space<hbm>> -> memref<64x128xf32, #tpu.memory_space<hbm>>
      %dma_start3A_780 = arith.constant 0 : i32
      %dma_start3A_781 = tpu.memref_slice %arg5[%dma_start3A_780, %multiple_of3A_773] : memref<64x1000000xf32, #tpu.memory_space<hbm>> -> memref<64x128xf32, #tpu.memory_space<hbm>>
      tpu.enqueue_dma source(%dma_start3A_781 : memref<64x128xf32, #tpu.memory_space<hbm>>) target(%arg18 : memref<64x128xf32, #tpu.memory_space<vmem>>) target_semaphore(%arg25 : memref<!tpu.dma_semaphore, #tpu.memory_space<semaphore_mem>>)
      %and3A_782 = arith.constant 15 : i32
      %and3A_783 = arith.andi %add3A_688, %and3A_782 : i32
      %eq3A_784 = arith.constant 15 : i32
      %eq3A_785 = arith.cmpi eq, %and3A_783, %eq3A_784 : i32
      %convert_element_type3A_786 = arith.extui %eq3A_785 : i1 to i32
      %cond3A_787 = arith.constant 0 : i32
      %cond3A_788 = arith.cmpi ne, %convert_element_type3A_786, %cond3A_787 : i32
      scf.if %cond3A_788 {
        %neg3A = arith.constant 0.000000e+00 : f32
        %neg3A_1000 = vector.broadcast %neg3A : f32 to vector<16xf32>
        %neg3A_1001 = arith.subf %neg3A_1000, %select_n3A_751 : vector<16xf32>
        %exp3A = math.exp %neg3A_1001 : vector<16xf32>
        %add3A_1002 = arith.constant 1.000000e+00 : f32
        %add3A_1003 = vector.broadcast %add3A_1002 : f32 to vector<16xf32>
        %add3A_1004 = arith.addf %add3A_1003, %exp3A : vector<16xf32>
        %div3A = arith.constant 1.000000e+00 : f32
        %div3A_1005 = vector.broadcast %div3A : f32 to vector<16xf32>
        %div3A_1006 = arith.divf %div3A_1005, %add3A_1004 : vector<16xf32>
        %shift_right_arithmetic3A_1007 = arith.constant 4 : i32
        %shift_right_arithmetic3A_1008 = arith.shrsi %add3A_688, %shift_right_arithmetic3A_1007 : i32
        %mul3A_1009 = arith.constant 16 : i32
        %mul3A_1010 = arith.muli %shift_right_arithmetic3A_1008, %mul3A_1009 : i32
        %swap3A = arith.index_cast %mul3A_1010 : i32 to index
        %swap3A_1011 = tpu.vector_load %arg21[%swap3A] {strides = array<i32>} : memref<512xf32, #tpu.memory_space<vmem>>, vector<16xf32>,
        tpu.vector_store %arg21[%swap3A], %div3A_1006 {strides = array<i32>} : memref<512xf32, #tpu.memory_space<vmem>>, vector<16xf32>,
      } else {
      }
      %select_n3A_789 = arith.select %eq3A_785, %broadcast_in_dim3A_3, %select_n3A_751 : vector<16xf32>
      %mul3A_790 = arith.constant 6 : i32
      %mul3A_791 = arith.muli %mul3A_790, %scan3A_368 : i32
      %add3A_792 = arith.constant 4 : i32
      %add3A_793 = arith.addi %mul3A_791, %add3A_792 : i32
      %dma_wait3A_794 = arith.constant 0 : i32
      %dma_wait3A_795 = arith.constant 0 : i32
      %dma_wait3A_796 = tpu.memref_slice %arg4[%dma_wait3A_794, %dma_wait3A_795] : memref<64x1000000xf32, #tpu.memory_space<hbm>> -> memref<64x128xf32, #tpu.memory_space<hbm>>
      %dma_wait3A_797 = arith.constant 0 : i32
      %dma_wait3A_798 = arith.constant 0 : i32
      %dma_wait3A_799 = tpu.memref_slice %arg4[%dma_wait3A_797, %dma_wait3A_798] : memref<64x1000000xf32, #tpu.memory_space<hbm>> -> memref<64x128xf32, #tpu.memory_space<hbm>>
      tpu.wait_dma2 semaphore(%arg26 : memref<!tpu.dma_semaphore, #tpu.memory_space<semaphore_mem>>) src(%dma_wait3A_799 : memref<64x128xf32, #tpu.memory_space<hbm>>) dst(%arg9 : memref<64x128xf32, #tpu.memory_space<vmem>>)
      %dma_wait3A_800 = arith.constant 0 : i32
      %dma_wait3A_801 = arith.constant 0 : i32
      %dma_wait3A_802 = tpu.memref_slice %arg4[%dma_wait3A_800, %dma_wait3A_801] : memref<64x1000000xf32, #tpu.memory_space<hbm>> -> memref<64x128xf32, #tpu.memory_space<hbm>>
      %dma_wait3A_803 = arith.constant 0 : i32
      %dma_wait3A_804 = arith.constant 0 : i32
      %dma_wait3A_805 = tpu.memref_slice %arg4[%dma_wait3A_803, %dma_wait3A_804] : memref<64x1000000xf32, #tpu.memory_space<hbm>> -> memref<64x128xf32, #tpu.memory_space<hbm>>
      tpu.wait_dma2 semaphore(%arg26 : memref<!tpu.dma_semaphore, #tpu.memory_space<semaphore_mem>>) src(%dma_wait3A_805 : memref<64x128xf32, #tpu.memory_space<hbm>>) dst(%arg9 : memref<64x128xf32, #tpu.memory_space<vmem>>)
      %get3A_806 = arith.index_cast %add3A_793 : i32 to index
      %get3A_807 = tpu.vector_load %arg7[%get3A_806] {strides = array<i32>} : memref<528xi32, #tpu.memory_space<vmem>>, vector<16xi32>,
      %get3A_808 = arith.index_cast %add3A_793 : i32 to index
      %get3A_809 = tpu.vector_load %arg8[%get3A_808] {strides = array<i32>} : memref<528xi32, #tpu.memory_space<vmem>>, vector<16xi32>,
      %slice3A_810 = vector.extract_strided_slice %get3A_807 {offsets = [0], sizes = [1], strides = [1]} : vector<16xi32> to vector<1xi32>
      %squeeze3A_811 = vector.extract %slice3A_810[0] : i32 from vector<1xi32>
      %and3A_812 = arith.constant 127 : i32
      %and3A_813 = arith.andi %squeeze3A_811, %and3A_812 : i32
      %broadcast_in_dim3A_814 = vector.broadcast %and3A_813 : i32 to vector<16xi32>
      %slice3A_815 = vector.extract_strided_slice %get3A_809 {offsets = [0], sizes = [1], strides = [1]} : vector<16xi32> to vector<1xi32>
      %squeeze3A_816 = vector.extract %slice3A_815[0] : i32 from vector<1xi32>
      %and3A_817 = arith.constant 127 : i32
      %and3A_818 = arith.andi %squeeze3A_816, %and3A_817 : i32
      %broadcast_in_dim3A_819 = vector.broadcast %and3A_818 : i32 to vector<16xi32>
      %add3A_820 = arith.constant 0 : i32
      %add3A_821 = vector.broadcast %add3A_820 : i32 to vector<16xi32>
      %add3A_822 = arith.addi %iota3A, %add3A_821 : vector<16xi32>
      %gather3A_823 = tpu.vector_load_idx %arg13[%add3A_822, %broadcast_in_dim3A_814] : memref<64x128xf32, #tpu.memory_space<vmem>>[vector<16xi32>, vector<16xi32>], vector<16xf32>,
      %gather3A_824 = tpu.vector_load_idx %arg19[%add3A_822, %broadcast_in_dim3A_819] : memref<64x128xf32, #tpu.memory_space<vmem>>[vector<16xi32>, vector<16xi32>], vector<16xf32>,
      %mul3A_825 = arith.mulf %gather3A_823, %gather3A_824 : vector<16xf32>
      %add3A_826 = arith.constant 16 : i32
      %add3A_827 = vector.broadcast %add3A_826 : i32 to vector<16xi32>
      %add3A_828 = arith.addi %iota3A, %add3A_827 : vector<16xi32>
      %gather3A_829 = tpu.vector_load_idx %arg13[%add3A_828, %broadcast_in_dim3A_814] : memref<64x128xf32, #tpu.memory_space<vmem>>[vector<16xi32>, vector<16xi32>], vector<16xf32>,
      %gather3A_830 = tpu.vector_load_idx %arg19[%add3A_828, %broadcast_in_dim3A_819] : memref<64x128xf32, #tpu.memory_space<vmem>>[vector<16xi32>, vector<16xi32>], vector<16xf32>,
      %mul3A_831 = arith.mulf %gather3A_829, %gather3A_830 : vector<16xf32>
      %add3A_832 = arith.addf %mul3A_825, %mul3A_831 : vector<16xf32>
      %add3A_833 = arith.constant 32 : i32
      %add3A_834 = vector.broadcast %add3A_833 : i32 to vector<16xi32>
      %add3A_835 = arith.addi %iota3A, %add3A_834 : vector<16xi32>
      %gather3A_836 = tpu.vector_load_idx %arg13[%add3A_835, %broadcast_in_dim3A_814] : memref<64x128xf32, #tpu.memory_space<vmem>>[vector<16xi32>, vector<16xi32>], vector<16xf32>,
      %gather3A_837 = tpu.vector_load_idx %arg19[%add3A_835, %broadcast_in_dim3A_819] : memref<64x128xf32, #tpu.memory_space<vmem>>[vector<16xi32>, vector<16xi32>], vector<16xf32>,
      %mul3A_838 = arith.mulf %gather3A_836, %gather3A_837 : vector<16xf32>
      %add3A_839 = arith.addf %add3A_832, %mul3A_838 : vector<16xf32>
      %add3A_840 = arith.constant 48 : i32
      %add3A_841 = vector.broadcast %add3A_840 : i32 to vector<16xi32>
      %add3A_842 = arith.addi %iota3A, %add3A_841 : vector<16xi32>
      %gather3A_843 = tpu.vector_load_idx %arg13[%add3A_842, %broadcast_in_dim3A_814] : memref<64x128xf32, #tpu.memory_space<vmem>>[vector<16xi32>, vector<16xi32>], vector<16xf32>,
      %gather3A_844 = tpu.vector_load_idx %arg19[%add3A_842, %broadcast_in_dim3A_819] : memref<64x128xf32, #tpu.memory_space<vmem>>[vector<16xi32>, vector<16xi32>], vector<16xf32>,
      %mul3A_845 = arith.mulf %gather3A_843, %gather3A_844 : vector<16xf32>
      %add3A_846 = arith.addf %add3A_839, %mul3A_845 : vector<16xf32>
      %and3A_847 = arith.constant 15 : i32
      %and3A_848 = arith.andi %add3A_793, %and3A_847 : i32
      %eq3A_849 = vector.broadcast %and3A_848 : i32 to vector<16xi32>
      %eq3A_850 = arith.cmpi eq, %iota3A, %eq3A_849 : vector<16xi32>
      %reduce_sum3A_851 = arith.constant true
      %reduce_sum3A_852 = vector.broadcast %reduce_sum3A_851 : i1 to vector<16xi1>
      %reduce_sum3A_853 = tpu.scan <sum>, %add3A_846 masked %reduce_sum3A_852 : vector<16xf32>, vector<16xi1> -> vector<16xf32>
      %reduce_sum3A_854 = vector.extract %reduce_sum3A_853[15] : f32 from vector<16xf32>
      %broadcast_in_dim3A_855 = vector.broadcast %reduce_sum3A_854 : f32 to vector<16xf32>
      %select_n3A_856 = arith.select %eq3A_850, %broadcast_in_dim3A_855, %select_n3A_789 : vector<16xi1>, vector<16xf32>
      %add3A_857 = arith.constant 6 : i32
      %add3A_858 = arith.addi %add3A_793, %add3A_857 : i32
      %min3A_859 = arith.constant 511 : i32
      %min3A_860 = arith.minsi %add3A_858, %min3A_859 : i32
      %get3A_861 = arith.index_cast %min3A_860 : i32 to index
      %get3A_862 = tpu.vector_load %arg7[%get3A_861] {strides = array<i32>} : memref<528xi32, #tpu.memory_space<vmem>>, vector<16xi32>,
      %get3A_863 = arith.index_cast %min3A_860 : i32 to index
      %get3A_864 = tpu.vector_load %arg8[%get3A_863] {strides = array<i32>} : memref<528xi32, #tpu.memory_space<vmem>>, vector<16xi32>,
      %slice3A_865 = vector.extract_strided_slice %get3A_862 {offsets = [0], sizes = [1], strides = [1]} : vector<16xi32> to vector<1xi32>
      %squeeze3A_866 = vector.extract %slice3A_865[0] : i32 from vector<1xi32>
      %shift_right_arithmetic3A_867 = arith.constant 7 : i32
      %shift_right_arithmetic3A_868 = arith.shrsi %squeeze3A_866, %shift_right_arithmetic3A_867 : i32
      %mul3A_869 = arith.constant 128 : i32
      %mul3A_870 = arith.muli %shift_right_arithmetic3A_868, %mul3A_869 : i32
      %multiple_of3A_871 = tpu.assume_multiple %mul3A_870, 128 : i32
      %slice3A_872 = vector.extract_strided_slice %get3A_864 {offsets = [0], sizes = [1], strides = [1]} : vector<16xi32> to vector<1xi32>
      %squeeze3A_873 = vector.extract %slice3A_872[0] : i32 from vector<1xi32>
      %shift_right_arithmetic3A_874 = arith.constant 7 : i32
      %shift_right_arithmetic3A_875 = arith.shrsi %squeeze3A_873, %shift_right_arithmetic3A_874 : i32
      %mul3A_876 = arith.constant 128 : i32
      %mul3A_877 = arith.muli %shift_right_arithmetic3A_875, %mul3A_876 : i32
      %multiple_of3A_878 = tpu.assume_multiple %mul3A_877, 128 : i32
      %dma_start3A_879 = arith.constant 0 : i32
      %dma_start3A_880 = tpu.memref_slice %arg4[%dma_start3A_879, %multiple_of3A_871] : memref<64x1000000xf32, #tpu.memory_space<hbm>> -> memref<64x128xf32, #tpu.memory_space<hbm>>
      %dma_start3A_881 = arith.constant 0 : i32
      %dma_start3A_882 = tpu.memref_slice %arg4[%dma_start3A_881, %multiple_of3A_871] : memref<64x1000000xf32, #tpu.memory_space<hbm>> -> memref<64x128xf32, #tpu.memory_space<hbm>>
      tpu.enqueue_dma source(%dma_start3A_882 : memref<64x128xf32, #tpu.memory_space<hbm>>) target(%arg13 : memref<64x128xf32, #tpu.memory_space<vmem>>) target_semaphore(%arg26 : memref<!tpu.dma_semaphore, #tpu.memory_space<semaphore_mem>>)
      %dma_start3A_883 = arith.constant 0 : i32
      %dma_start3A_884 = tpu.memref_slice %arg5[%dma_start3A_883, %multiple_of3A_878] : memref<64x1000000xf32, #tpu.memory_space<hbm>> -> memref<64x128xf32, #tpu.memory_space<hbm>>
      %dma_start3A_885 = arith.constant 0 : i32
      %dma_start3A_886 = tpu.memref_slice %arg5[%dma_start3A_885, %multiple_of3A_878] : memref<64x1000000xf32, #tpu.memory_space<hbm>> -> memref<64x128xf32, #tpu.memory_space<hbm>>
      tpu.enqueue_dma source(%dma_start3A_886 : memref<64x128xf32, #tpu.memory_space<hbm>>) target(%arg19 : memref<64x128xf32, #tpu.memory_space<vmem>>) target_semaphore(%arg26 : memref<!tpu.dma_semaphore, #tpu.memory_space<semaphore_mem>>)
      %and3A_887 = arith.constant 15 : i32
      %and3A_888 = arith.andi %add3A_793, %and3A_887 : i32
      %eq3A_889 = arith.constant 15 : i32
      %eq3A_890 = arith.cmpi eq, %and3A_888, %eq3A_889 : i32
      %convert_element_type3A_891 = arith.extui %eq3A_890 : i1 to i32
      %cond3A_892 = arith.constant 0 : i32
      %cond3A_893 = arith.cmpi ne, %convert_element_type3A_891, %cond3A_892 : i32
      scf.if %cond3A_893 {
        %neg3A = arith.constant 0.000000e+00 : f32
        %neg3A_1000 = vector.broadcast %neg3A : f32 to vector<16xf32>
        %neg3A_1001 = arith.subf %neg3A_1000, %select_n3A_856 : vector<16xf32>
        %exp3A = math.exp %neg3A_1001 : vector<16xf32>
        %add3A_1002 = arith.constant 1.000000e+00 : f32
        %add3A_1003 = vector.broadcast %add3A_1002 : f32 to vector<16xf32>
        %add3A_1004 = arith.addf %add3A_1003, %exp3A : vector<16xf32>
        %div3A = arith.constant 1.000000e+00 : f32
        %div3A_1005 = vector.broadcast %div3A : f32 to vector<16xf32>
        %div3A_1006 = arith.divf %div3A_1005, %add3A_1004 : vector<16xf32>
        %shift_right_arithmetic3A_1007 = arith.constant 4 : i32
        %shift_right_arithmetic3A_1008 = arith.shrsi %add3A_793, %shift_right_arithmetic3A_1007 : i32
        %mul3A_1009 = arith.constant 16 : i32
        %mul3A_1010 = arith.muli %shift_right_arithmetic3A_1008, %mul3A_1009 : i32
        %swap3A = arith.index_cast %mul3A_1010 : i32 to index
        %swap3A_1011 = tpu.vector_load %arg21[%swap3A] {strides = array<i32>} : memref<512xf32, #tpu.memory_space<vmem>>, vector<16xf32>,
        tpu.vector_store %arg21[%swap3A], %div3A_1006 {strides = array<i32>} : memref<512xf32, #tpu.memory_space<vmem>>, vector<16xf32>,
      } else {
      }
      %select_n3A_894 = arith.select %eq3A_890, %broadcast_in_dim3A_3, %select_n3A_856 : vector<16xf32>
      %mul3A_895 = arith.constant 6 : i32
      %mul3A_896 = arith.muli %mul3A_895, %scan3A_368 : i32
      %add3A_897 = arith.constant 5 : i32
      %add3A_898 = arith.addi %mul3A_896, %add3A_897 : i32
      %dma_wait3A_899 = arith.constant 0 : i32
      %dma_wait3A_900 = arith.constant 0 : i32
      %dma_wait3A_901 = tpu.memref_slice %arg4[%dma_wait3A_899, %dma_wait3A_900] : memref<64x1000000xf32, #tpu.memory_space<hbm>> -> memref<64x128xf32, #tpu.memory_space<hbm>>
      %dma_wait3A_902 = arith.constant 0 : i32
      %dma_wait3A_903 = arith.constant 0 : i32
      %dma_wait3A_904 = tpu.memref_slice %arg4[%dma_wait3A_902, %dma_wait3A_903] : memref<64x1000000xf32, #tpu.memory_space<hbm>> -> memref<64x128xf32, #tpu.memory_space<hbm>>
      tpu.wait_dma2 semaphore(%arg27 : memref<!tpu.dma_semaphore, #tpu.memory_space<semaphore_mem>>) src(%dma_wait3A_904 : memref<64x128xf32, #tpu.memory_space<hbm>>) dst(%arg9 : memref<64x128xf32, #tpu.memory_space<vmem>>)
      %dma_wait3A_905 = arith.constant 0 : i32
      %dma_wait3A_906 = arith.constant 0 : i32
      %dma_wait3A_907 = tpu.memref_slice %arg4[%dma_wait3A_905, %dma_wait3A_906] : memref<64x1000000xf32, #tpu.memory_space<hbm>> -> memref<64x128xf32, #tpu.memory_space<hbm>>
      %dma_wait3A_908 = arith.constant 0 : i32
      %dma_wait3A_909 = arith.constant 0 : i32
      %dma_wait3A_910 = tpu.memref_slice %arg4[%dma_wait3A_908, %dma_wait3A_909] : memref<64x1000000xf32, #tpu.memory_space<hbm>> -> memref<64x128xf32, #tpu.memory_space<hbm>>
      tpu.wait_dma2 semaphore(%arg27 : memref<!tpu.dma_semaphore, #tpu.memory_space<semaphore_mem>>) src(%dma_wait3A_910 : memref<64x128xf32, #tpu.memory_space<hbm>>) dst(%arg9 : memref<64x128xf32, #tpu.memory_space<vmem>>)
      %get3A_911 = arith.index_cast %add3A_898 : i32 to index
      %get3A_912 = tpu.vector_load %arg7[%get3A_911] {strides = array<i32>} : memref<528xi32, #tpu.memory_space<vmem>>, vector<16xi32>,
      %get3A_913 = arith.index_cast %add3A_898 : i32 to index
      %get3A_914 = tpu.vector_load %arg8[%get3A_913] {strides = array<i32>} : memref<528xi32, #tpu.memory_space<vmem>>, vector<16xi32>,
      %slice3A_915 = vector.extract_strided_slice %get3A_912 {offsets = [0], sizes = [1], strides = [1]} : vector<16xi32> to vector<1xi32>
      %squeeze3A_916 = vector.extract %slice3A_915[0] : i32 from vector<1xi32>
      %and3A_917 = arith.constant 127 : i32
      %and3A_918 = arith.andi %squeeze3A_916, %and3A_917 : i32
      %broadcast_in_dim3A_919 = vector.broadcast %and3A_918 : i32 to vector<16xi32>
      %slice3A_920 = vector.extract_strided_slice %get3A_914 {offsets = [0], sizes = [1], strides = [1]} : vector<16xi32> to vector<1xi32>
      %squeeze3A_921 = vector.extract %slice3A_920[0] : i32 from vector<1xi32>
      %and3A_922 = arith.constant 127 : i32
      %and3A_923 = arith.andi %squeeze3A_921, %and3A_922 : i32
      %broadcast_in_dim3A_924 = vector.broadcast %and3A_923 : i32 to vector<16xi32>
      %add3A_925 = arith.constant 0 : i32
      %add3A_926 = vector.broadcast %add3A_925 : i32 to vector<16xi32>
      %add3A_927 = arith.addi %iota3A, %add3A_926 : vector<16xi32>
      %gather3A_928 = tpu.vector_load_idx %arg14[%add3A_927, %broadcast_in_dim3A_919] : memref<64x128xf32, #tpu.memory_space<vmem>>[vector<16xi32>, vector<16xi32>], vector<16xf32>,
      %gather3A_929 = tpu.vector_load_idx %arg20[%add3A_927, %broadcast_in_dim3A_924] : memref<64x128xf32, #tpu.memory_space<vmem>>[vector<16xi32>, vector<16xi32>], vector<16xf32>,
      %mul3A_930 = arith.mulf %gather3A_928, %gather3A_929 : vector<16xf32>
      %add3A_931 = arith.constant 16 : i32
      %add3A_932 = vector.broadcast %add3A_931 : i32 to vector<16xi32>
      %add3A_933 = arith.addi %iota3A, %add3A_932 : vector<16xi32>
      %gather3A_934 = tpu.vector_load_idx %arg14[%add3A_933, %broadcast_in_dim3A_919] : memref<64x128xf32, #tpu.memory_space<vmem>>[vector<16xi32>, vector<16xi32>], vector<16xf32>,
      %gather3A_935 = tpu.vector_load_idx %arg20[%add3A_933, %broadcast_in_dim3A_924] : memref<64x128xf32, #tpu.memory_space<vmem>>[vector<16xi32>, vector<16xi32>], vector<16xf32>,
      %mul3A_936 = arith.mulf %gather3A_934, %gather3A_935 : vector<16xf32>
      %add3A_937 = arith.addf %mul3A_930, %mul3A_936 : vector<16xf32>
      %add3A_938 = arith.constant 32 : i32
      %add3A_939 = vector.broadcast %add3A_938 : i32 to vector<16xi32>
      %add3A_940 = arith.addi %iota3A, %add3A_939 : vector<16xi32>
      %gather3A_941 = tpu.vector_load_idx %arg14[%add3A_940, %broadcast_in_dim3A_919] : memref<64x128xf32, #tpu.memory_space<vmem>>[vector<16xi32>, vector<16xi32>], vector<16xf32>,
      %gather3A_942 = tpu.vector_load_idx %arg20[%add3A_940, %broadcast_in_dim3A_924] : memref<64x128xf32, #tpu.memory_space<vmem>>[vector<16xi32>, vector<16xi32>], vector<16xf32>,
      %mul3A_943 = arith.mulf %gather3A_941, %gather3A_942 : vector<16xf32>
      %add3A_944 = arith.addf %add3A_937, %mul3A_943 : vector<16xf32>
      %add3A_945 = arith.constant 48 : i32
      %add3A_946 = vector.broadcast %add3A_945 : i32 to vector<16xi32>
      %add3A_947 = arith.addi %iota3A, %add3A_946 : vector<16xi32>
      %gather3A_948 = tpu.vector_load_idx %arg14[%add3A_947, %broadcast_in_dim3A_919] : memref<64x128xf32, #tpu.memory_space<vmem>>[vector<16xi32>, vector<16xi32>], vector<16xf32>,
      %gather3A_949 = tpu.vector_load_idx %arg20[%add3A_947, %broadcast_in_dim3A_924] : memref<64x128xf32, #tpu.memory_space<vmem>>[vector<16xi32>, vector<16xi32>], vector<16xf32>,
      %mul3A_950 = arith.mulf %gather3A_948, %gather3A_949 : vector<16xf32>
      %add3A_951 = arith.addf %add3A_944, %mul3A_950 : vector<16xf32>
      %and3A_952 = arith.constant 15 : i32
      %and3A_953 = arith.andi %add3A_898, %and3A_952 : i32
      %eq3A_954 = vector.broadcast %and3A_953 : i32 to vector<16xi32>
      %eq3A_955 = arith.cmpi eq, %iota3A, %eq3A_954 : vector<16xi32>
      %reduce_sum3A_956 = arith.constant true
      %reduce_sum3A_957 = vector.broadcast %reduce_sum3A_956 : i1 to vector<16xi1>
      %reduce_sum3A_958 = tpu.scan <sum>, %add3A_951 masked %reduce_sum3A_957 : vector<16xf32>, vector<16xi1> -> vector<16xf32>
      %reduce_sum3A_959 = vector.extract %reduce_sum3A_958[15] : f32 from vector<16xf32>
      %broadcast_in_dim3A_960 = vector.broadcast %reduce_sum3A_959 : f32 to vector<16xf32>
      %select_n3A_961 = arith.select %eq3A_955, %broadcast_in_dim3A_960, %select_n3A_894 : vector<16xi1>, vector<16xf32>
      %add3A_962 = arith.constant 6 : i32
      %add3A_963 = arith.addi %add3A_898, %add3A_962 : i32
      %min3A_964 = arith.constant 511 : i32
      %min3A_965 = arith.minsi %add3A_963, %min3A_964 : i32
      %get3A_966 = arith.index_cast %min3A_965 : i32 to index
      %get3A_967 = tpu.vector_load %arg7[%get3A_966] {strides = array<i32>} : memref<528xi32, #tpu.memory_space<vmem>>, vector<16xi32>,
      %get3A_968 = arith.index_cast %min3A_965 : i32 to index
      %get3A_969 = tpu.vector_load %arg8[%get3A_968] {strides = array<i32>} : memref<528xi32, #tpu.memory_space<vmem>>, vector<16xi32>,
      %slice3A_970 = vector.extract_strided_slice %get3A_967 {offsets = [0], sizes = [1], strides = [1]} : vector<16xi32> to vector<1xi32>
      %squeeze3A_971 = vector.extract %slice3A_970[0] : i32 from vector<1xi32>
      %shift_right_arithmetic3A_972 = arith.constant 7 : i32
      %shift_right_arithmetic3A_973 = arith.shrsi %squeeze3A_971, %shift_right_arithmetic3A_972 : i32
      %mul3A_974 = arith.constant 128 : i32
      %mul3A_975 = arith.muli %shift_right_arithmetic3A_973, %mul3A_974 : i32
      %multiple_of3A_976 = tpu.assume_multiple %mul3A_975, 128 : i32
      %slice3A_977 = vector.extract_strided_slice %get3A_969 {offsets = [0], sizes = [1], strides = [1]} : vector<16xi32> to vector<1xi32>
      %squeeze3A_978 = vector.extract %slice3A_977[0] : i32 from vector<1xi32>
      %shift_right_arithmetic3A_979 = arith.constant 7 : i32
      %shift_right_arithmetic3A_980 = arith.shrsi %squeeze3A_978, %shift_right_arithmetic3A_979 : i32
      %mul3A_981 = arith.constant 128 : i32
      %mul3A_982 = arith.muli %shift_right_arithmetic3A_980, %mul3A_981 : i32
      %multiple_of3A_983 = tpu.assume_multiple %mul3A_982, 128 : i32
      %dma_start3A_984 = arith.constant 0 : i32
      %dma_start3A_985 = tpu.memref_slice %arg4[%dma_start3A_984, %multiple_of3A_976] : memref<64x1000000xf32, #tpu.memory_space<hbm>> -> memref<64x128xf32, #tpu.memory_space<hbm>>
      %dma_start3A_986 = arith.constant 0 : i32
      %dma_start3A_987 = tpu.memref_slice %arg4[%dma_start3A_986, %multiple_of3A_976] : memref<64x1000000xf32, #tpu.memory_space<hbm>> -> memref<64x128xf32, #tpu.memory_space<hbm>>
      tpu.enqueue_dma source(%dma_start3A_987 : memref<64x128xf32, #tpu.memory_space<hbm>>) target(%arg14 : memref<64x128xf32, #tpu.memory_space<vmem>>) target_semaphore(%arg27 : memref<!tpu.dma_semaphore, #tpu.memory_space<semaphore_mem>>)
      %dma_start3A_988 = arith.constant 0 : i32
      %dma_start3A_989 = tpu.memref_slice %arg5[%dma_start3A_988, %multiple_of3A_983] : memref<64x1000000xf32, #tpu.memory_space<hbm>> -> memref<64x128xf32, #tpu.memory_space<hbm>>
      %dma_start3A_990 = arith.constant 0 : i32
      %dma_start3A_991 = tpu.memref_slice %arg5[%dma_start3A_990, %multiple_of3A_983] : memref<64x1000000xf32, #tpu.memory_space<hbm>> -> memref<64x128xf32, #tpu.memory_space<hbm>>
      tpu.enqueue_dma source(%dma_start3A_991 : memref<64x128xf32, #tpu.memory_space<hbm>>) target(%arg20 : memref<64x128xf32, #tpu.memory_space<vmem>>) target_semaphore(%arg27 : memref<!tpu.dma_semaphore, #tpu.memory_space<semaphore_mem>>)
      %and3A_992 = arith.constant 15 : i32
      %and3A_993 = arith.andi %add3A_898, %and3A_992 : i32
      %eq3A_994 = arith.constant 15 : i32
      %eq3A_995 = arith.cmpi eq, %and3A_993, %eq3A_994 : i32
      %convert_element_type3A_996 = arith.extui %eq3A_995 : i1 to i32
      %cond3A_997 = arith.constant 0 : i32
      %cond3A_998 = arith.cmpi ne, %convert_element_type3A_996, %cond3A_997 : i32
      scf.if %cond3A_998 {
        %neg3A = arith.constant 0.000000e+00 : f32
        %neg3A_1000 = vector.broadcast %neg3A : f32 to vector<16xf32>
        %neg3A_1001 = arith.subf %neg3A_1000, %select_n3A_961 : vector<16xf32>
        %exp3A = math.exp %neg3A_1001 : vector<16xf32>
        %add3A_1002 = arith.constant 1.000000e+00 : f32
        %add3A_1003 = vector.broadcast %add3A_1002 : f32 to vector<16xf32>
        %add3A_1004 = arith.addf %add3A_1003, %exp3A : vector<16xf32>
        %div3A = arith.constant 1.000000e+00 : f32
        %div3A_1005 = vector.broadcast %div3A : f32 to vector<16xf32>
        %div3A_1006 = arith.divf %div3A_1005, %add3A_1004 : vector<16xf32>
        %shift_right_arithmetic3A_1007 = arith.constant 4 : i32
        %shift_right_arithmetic3A_1008 = arith.shrsi %add3A_898, %shift_right_arithmetic3A_1007 : i32
        %mul3A_1009 = arith.constant 16 : i32
        %mul3A_1010 = arith.muli %shift_right_arithmetic3A_1008, %mul3A_1009 : i32
        %swap3A = arith.index_cast %mul3A_1010 : i32 to index
        %swap3A_1011 = tpu.vector_load %arg21[%swap3A] {strides = array<i32>} : memref<512xf32, #tpu.memory_space<vmem>>, vector<16xf32>,
        tpu.vector_store %arg21[%swap3A], %div3A_1006 {strides = array<i32>} : memref<512xf32, #tpu.memory_space<vmem>>, vector<16xf32>,
      } else {
      }
      %select_n3A_999 = arith.select %eq3A_995, %broadcast_in_dim3A_3, %select_n3A_961 : vector<16xf32>
      scf.yield %select_n3A_999 : vector<16xf32>
    }
    %scan3A_175 = arith.constant 85 : i32
    %dma_wait3A = arith.constant 0 : i32
    %dma_wait3A_176 = arith.constant 0 : i32
    %dma_wait3A_177 = tpu.memref_slice %arg4[%dma_wait3A, %dma_wait3A_176] : memref<64x1000000xf32, #tpu.memory_space<hbm>> -> memref<64x128xf32, #tpu.memory_space<hbm>>
    %dma_wait3A_178 = arith.constant 0 : i32
    %dma_wait3A_179 = arith.constant 0 : i32
    %dma_wait3A_180 = tpu.memref_slice %arg4[%dma_wait3A_178, %dma_wait3A_179] : memref<64x1000000xf32, #tpu.memory_space<hbm>> -> memref<64x128xf32, #tpu.memory_space<hbm>>
    tpu.wait_dma2 semaphore(%arg22 : memref<!tpu.dma_semaphore, #tpu.memory_space<semaphore_mem>>) src(%dma_wait3A_180 : memref<64x128xf32, #tpu.memory_space<hbm>>) dst(%arg9 : memref<64x128xf32, #tpu.memory_space<vmem>>)
    %dma_wait3A_181 = arith.constant 0 : i32
    %dma_wait3A_182 = arith.constant 0 : i32
    %dma_wait3A_183 = tpu.memref_slice %arg4[%dma_wait3A_181, %dma_wait3A_182] : memref<64x1000000xf32, #tpu.memory_space<hbm>> -> memref<64x128xf32, #tpu.memory_space<hbm>>
    %dma_wait3A_184 = arith.constant 0 : i32
    %dma_wait3A_185 = arith.constant 0 : i32
    %dma_wait3A_186 = tpu.memref_slice %arg4[%dma_wait3A_184, %dma_wait3A_185] : memref<64x1000000xf32, #tpu.memory_space<hbm>> -> memref<64x128xf32, #tpu.memory_space<hbm>>
    tpu.wait_dma2 semaphore(%arg22 : memref<!tpu.dma_semaphore, #tpu.memory_space<semaphore_mem>>) src(%dma_wait3A_186 : memref<64x128xf32, #tpu.memory_space<hbm>>) dst(%arg9 : memref<64x128xf32, #tpu.memory_space<vmem>>)
    %get3A_187 = arith.constant 510 : i32
    %get3A_188 = arith.index_cast %get3A_187 : i32 to index
    %get3A_189 = tpu.vector_load %arg7[%get3A_188] {strides = array<i32>} : memref<528xi32, #tpu.memory_space<vmem>>, vector<16xi32>,
    %get3A_190 = arith.constant 510 : i32
    %get3A_191 = arith.index_cast %get3A_190 : i32 to index
    %get3A_192 = tpu.vector_load %arg8[%get3A_191] {strides = array<i32>} : memref<528xi32, #tpu.memory_space<vmem>>, vector<16xi32>,
    %slice3A_193 = vector.extract_strided_slice %get3A_189 {offsets = [0], sizes = [1], strides = [1]} : vector<16xi32> to vector<1xi32>
    %squeeze3A_194 = vector.extract %slice3A_193[0] : i32 from vector<1xi32>
    %and3A = arith.constant 127 : i32
    %and3A_195 = arith.andi %squeeze3A_194, %and3A : i32
    %broadcast_in_dim3A_196 = vector.broadcast %and3A_195 : i32 to vector<16xi32>
    %slice3A_197 = vector.extract_strided_slice %get3A_192 {offsets = [0], sizes = [1], strides = [1]} : vector<16xi32> to vector<1xi32>
    %squeeze3A_198 = vector.extract %slice3A_197[0] : i32 from vector<1xi32>
    %and3A_199 = arith.constant 127 : i32
    %and3A_200 = arith.andi %squeeze3A_198, %and3A_199 : i32
    %broadcast_in_dim3A_201 = vector.broadcast %and3A_200 : i32 to vector<16xi32>
    %add3A_202 = arith.constant 0 : i32
    %add3A_203 = vector.broadcast %add3A_202 : i32 to vector<16xi32>
    %add3A_204 = arith.addi %iota3A, %add3A_203 : vector<16xi32>
    %gather3A = tpu.vector_load_idx %arg9[%add3A_204, %broadcast_in_dim3A_196] : memref<64x128xf32, #tpu.memory_space<vmem>>[vector<16xi32>, vector<16xi32>], vector<16xf32>,
    %gather3A_205 = tpu.vector_load_idx %arg15[%add3A_204, %broadcast_in_dim3A_201] : memref<64x128xf32, #tpu.memory_space<vmem>>[vector<16xi32>, vector<16xi32>], vector<16xf32>,
    %mul3A_206 = arith.mulf %gather3A, %gather3A_205 : vector<16xf32>
    %add3A_207 = arith.constant 16 : i32
    %add3A_208 = vector.broadcast %add3A_207 : i32 to vector<16xi32>
    %add3A_209 = arith.addi %iota3A, %add3A_208 : vector<16xi32>
    %gather3A_210 = tpu.vector_load_idx %arg9[%add3A_209, %broadcast_in_dim3A_196] : memref<64x128xf32, #tpu.memory_space<vmem>>[vector<16xi32>, vector<16xi32>], vector<16xf32>,
    %gather3A_211 = tpu.vector_load_idx %arg15[%add3A_209, %broadcast_in_dim3A_201] : memref<64x128xf32, #tpu.memory_space<vmem>>[vector<16xi32>, vector<16xi32>], vector<16xf32>,
    %mul3A_212 = arith.mulf %gather3A_210, %gather3A_211 : vector<16xf32>
    %add3A_213 = arith.addf %mul3A_206, %mul3A_212 : vector<16xf32>
    %add3A_214 = arith.constant 32 : i32
    %add3A_215 = vector.broadcast %add3A_214 : i32 to vector<16xi32>
    %add3A_216 = arith.addi %iota3A, %add3A_215 : vector<16xi32>
    %gather3A_217 = tpu.vector_load_idx %arg9[%add3A_216, %broadcast_in_dim3A_196] : memref<64x128xf32, #tpu.memory_space<vmem>>[vector<16xi32>, vector<16xi32>], vector<16xf32>,
    %gather3A_218 = tpu.vector_load_idx %arg15[%add3A_216, %broadcast_in_dim3A_201] : memref<64x128xf32, #tpu.memory_space<vmem>>[vector<16xi32>, vector<16xi32>], vector<16xf32>,
    %mul3A_219 = arith.mulf %gather3A_217, %gather3A_218 : vector<16xf32>
    %add3A_220 = arith.addf %add3A_213, %mul3A_219 : vector<16xf32>
    %add3A_221 = arith.constant 48 : i32
    %add3A_222 = vector.broadcast %add3A_221 : i32 to vector<16xi32>
    %add3A_223 = arith.addi %iota3A, %add3A_222 : vector<16xi32>
    %gather3A_224 = tpu.vector_load_idx %arg9[%add3A_223, %broadcast_in_dim3A_196] : memref<64x128xf32, #tpu.memory_space<vmem>>[vector<16xi32>, vector<16xi32>], vector<16xf32>,
    %gather3A_225 = tpu.vector_load_idx %arg15[%add3A_223, %broadcast_in_dim3A_201] : memref<64x128xf32, #tpu.memory_space<vmem>>[vector<16xi32>, vector<16xi32>], vector<16xf32>,
    %mul3A_226 = arith.mulf %gather3A_224, %gather3A_225 : vector<16xf32>
    %add3A_227 = arith.addf %add3A_220, %mul3A_226 : vector<16xf32>
    %and3A_228 = arith.constant 510 : i32
    %and3A_229 = arith.constant 15 : i32
    %and3A_230 = arith.andi %and3A_228, %and3A_229 : i32
    %eq3A = vector.broadcast %and3A_230 : i32 to vector<16xi32>
    %eq3A_231 = arith.cmpi eq, %iota3A, %eq3A : vector<16xi32>
    %reduce_sum3A = arith.constant true
    %reduce_sum3A_232 = vector.broadcast %reduce_sum3A : i1 to vector<16xi1>
    %reduce_sum3A_233 = tpu.scan <sum>, %add3A_227 masked %reduce_sum3A_232 : vector<16xf32>, vector<16xi1> -> vector<16xf32>
    %reduce_sum3A_234 = vector.extract %reduce_sum3A_233[15] : f32 from vector<16xf32>
    %broadcast_in_dim3A_235 = vector.broadcast %reduce_sum3A_234 : f32 to vector<16xf32>
    %select_n3A = arith.select %eq3A_231, %broadcast_in_dim3A_235, %scan3A_174 : vector<16xi1>, vector<16xf32>
    %and3A_236 = arith.constant 510 : i32
    %and3A_237 = arith.constant 15 : i32
    %and3A_238 = arith.andi %and3A_236, %and3A_237 : i32
    %eq3A_239 = arith.constant 15 : i32
    %eq3A_240 = arith.cmpi eq, %and3A_238, %eq3A_239 : i32
    %convert_element_type3A = arith.extui %eq3A_240 : i1 to i32
    %cond3A = arith.constant 510 : i32
    %cond3A_241 = arith.constant 0 : i32
    %cond3A_242 = arith.cmpi ne, %convert_element_type3A, %cond3A_241 : i32
    scf.if %cond3A_242 {
      %neg3A = arith.constant 0.000000e+00 : f32
      %neg3A_368 = vector.broadcast %neg3A : f32 to vector<16xf32>
      %neg3A_369 = arith.subf %neg3A_368, %select_n3A : vector<16xf32>
      %exp3A = math.exp %neg3A_369 : vector<16xf32>
      %add3A_370 = arith.constant 1.000000e+00 : f32
      %add3A_371 = vector.broadcast %add3A_370 : f32 to vector<16xf32>
      %add3A_372 = arith.addf %add3A_371, %exp3A : vector<16xf32>
      %div3A = arith.constant 1.000000e+00 : f32
      %div3A_373 = vector.broadcast %div3A : f32 to vector<16xf32>
      %div3A_374 = arith.divf %div3A_373, %add3A_372 : vector<16xf32>
      %shift_right_arithmetic3A_375 = arith.constant 4 : i32
      %shift_right_arithmetic3A_376 = arith.shrsi %cond3A, %shift_right_arithmetic3A_375 : i32
      %mul3A_377 = arith.constant 16 : i32
      %mul3A_378 = arith.muli %shift_right_arithmetic3A_376, %mul3A_377 : i32
      %swap3A = arith.index_cast %mul3A_378 : i32 to index
      %swap3A_379 = tpu.vector_load %arg21[%swap3A] {strides = array<i32>} : memref<512xf32, #tpu.memory_space<vmem>>, vector<16xf32>,
      tpu.vector_store %arg21[%swap3A], %div3A_374 {strides = array<i32>} : memref<512xf32, #tpu.memory_space<vmem>>, vector<16xf32>,
    } else {
    }
    %select_n3A_243 = arith.select %eq3A_240, %broadcast_in_dim3A_3, %select_n3A : vector<16xf32>
    %dma_wait3A_244 = arith.constant 0 : i32
    %dma_wait3A_245 = arith.constant 0 : i32
    %dma_wait3A_246 = tpu.memref_slice %arg4[%dma_wait3A_244, %dma_wait3A_245] : memref<64x1000000xf32, #tpu.memory_space<hbm>> -> memref<64x128xf32, #tpu.memory_space<hbm>>
    %dma_wait3A_247 = arith.constant 0 : i32
    %dma_wait3A_248 = arith.constant 0 : i32
    %dma_wait3A_249 = tpu.memref_slice %arg4[%dma_wait3A_247, %dma_wait3A_248] : memref<64x1000000xf32, #tpu.memory_space<hbm>> -> memref<64x128xf32, #tpu.memory_space<hbm>>
    tpu.wait_dma2 semaphore(%arg23 : memref<!tpu.dma_semaphore, #tpu.memory_space<semaphore_mem>>) src(%dma_wait3A_249 : memref<64x128xf32, #tpu.memory_space<hbm>>) dst(%arg9 : memref<64x128xf32, #tpu.memory_space<vmem>>)
    %dma_wait3A_250 = arith.constant 0 : i32
    %dma_wait3A_251 = arith.constant 0 : i32
    %dma_wait3A_252 = tpu.memref_slice %arg4[%dma_wait3A_250, %dma_wait3A_251] : memref<64x1000000xf32, #tpu.memory_space<hbm>> -> memref<64x128xf32, #tpu.memory_space<hbm>>
    %dma_wait3A_253 = arith.constant 0 : i32
    %dma_wait3A_254 = arith.constant 0 : i32
    %dma_wait3A_255 = tpu.memref_slice %arg4[%dma_wait3A_253, %dma_wait3A_254] : memref<64x1000000xf32, #tpu.memory_space<hbm>> -> memref<64x128xf32, #tpu.memory_space<hbm>>
    tpu.wait_dma2 semaphore(%arg23 : memref<!tpu.dma_semaphore, #tpu.memory_space<semaphore_mem>>) src(%dma_wait3A_255 : memref<64x128xf32, #tpu.memory_space<hbm>>) dst(%arg9 : memref<64x128xf32, #tpu.memory_space<vmem>>)
    %get3A_256 = arith.constant 511 : i32
    %get3A_257 = arith.index_cast %get3A_256 : i32 to index
    %get3A_258 = tpu.vector_load %arg7[%get3A_257] {strides = array<i32>} : memref<528xi32, #tpu.memory_space<vmem>>, vector<16xi32>,
    %get3A_259 = arith.constant 511 : i32
    %get3A_260 = arith.index_cast %get3A_259 : i32 to index
    %get3A_261 = tpu.vector_load %arg8[%get3A_260] {strides = array<i32>} : memref<528xi32, #tpu.memory_space<vmem>>, vector<16xi32>,
    %slice3A_262 = vector.extract_strided_slice %get3A_258 {offsets = [0], sizes = [1], strides = [1]} : vector<16xi32> to vector<1xi32>
    %squeeze3A_263 = vector.extract %slice3A_262[0] : i32 from vector<1xi32>
    %and3A_264 = arith.constant 127 : i32
    %and3A_265 = arith.andi %squeeze3A_263, %and3A_264 : i32
    %broadcast_in_dim3A_266 = vector.broadcast %and3A_265 : i32 to vector<16xi32>
    %slice3A_267 = vector.extract_strided_slice %get3A_261 {offsets = [0], sizes = [1], strides = [1]} : vector<16xi32> to vector<1xi32>
    %squeeze3A_268 = vector.extract %slice3A_267[0] : i32 from vector<1xi32>
    %and3A_269 = arith.constant 127 : i32
    %and3A_270 = arith.andi %squeeze3A_268, %and3A_269 : i32
    %broadcast_in_dim3A_271 = vector.broadcast %and3A_270 : i32 to vector<16xi32>
    %add3A_272 = arith.constant 0 : i32
    %add3A_273 = vector.broadcast %add3A_272 : i32 to vector<16xi32>
    %add3A_274 = arith.addi %iota3A, %add3A_273 : vector<16xi32>
    %gather3A_275 = tpu.vector_load_idx %arg10[%add3A_274, %broadcast_in_dim3A_266] : memref<64x128xf32, #tpu.memory_space<vmem>>[vector<16xi32>, vector<16xi32>], vector<16xf32>,
    %gather3A_276 = tpu.vector_load_idx %arg16[%add3A_274, %broadcast_in_dim3A_271] : memref<64x128xf32, #tpu.memory_space<vmem>>[vector<16xi32>, vector<16xi32>], vector<16xf32>,
    %mul3A_277 = arith.mulf %gather3A_275, %gather3A_276 : vector<16xf32>
    %add3A_278 = arith.constant 16 : i32
    %add3A_279 = vector.broadcast %add3A_278 : i32 to vector<16xi32>
    %add3A_280 = arith.addi %iota3A, %add3A_279 : vector<16xi32>
    %gather3A_281 = tpu.vector_load_idx %arg10[%add3A_280, %broadcast_in_dim3A_266] : memref<64x128xf32, #tpu.memory_space<vmem>>[vector<16xi32>, vector<16xi32>], vector<16xf32>,
    %gather3A_282 = tpu.vector_load_idx %arg16[%add3A_280, %broadcast_in_dim3A_271] : memref<64x128xf32, #tpu.memory_space<vmem>>[vector<16xi32>, vector<16xi32>], vector<16xf32>,
    %mul3A_283 = arith.mulf %gather3A_281, %gather3A_282 : vector<16xf32>
    %add3A_284 = arith.addf %mul3A_277, %mul3A_283 : vector<16xf32>
    %add3A_285 = arith.constant 32 : i32
    %add3A_286 = vector.broadcast %add3A_285 : i32 to vector<16xi32>
    %add3A_287 = arith.addi %iota3A, %add3A_286 : vector<16xi32>
    %gather3A_288 = tpu.vector_load_idx %arg10[%add3A_287, %broadcast_in_dim3A_266] : memref<64x128xf32, #tpu.memory_space<vmem>>[vector<16xi32>, vector<16xi32>], vector<16xf32>,
    %gather3A_289 = tpu.vector_load_idx %arg16[%add3A_287, %broadcast_in_dim3A_271] : memref<64x128xf32, #tpu.memory_space<vmem>>[vector<16xi32>, vector<16xi32>], vector<16xf32>,
    %mul3A_290 = arith.mulf %gather3A_288, %gather3A_289 : vector<16xf32>
    %add3A_291 = arith.addf %add3A_284, %mul3A_290 : vector<16xf32>
    %add3A_292 = arith.constant 48 : i32
    %add3A_293 = vector.broadcast %add3A_292 : i32 to vector<16xi32>
    %add3A_294 = arith.addi %iota3A, %add3A_293 : vector<16xi32>
    %gather3A_295 = tpu.vector_load_idx %arg10[%add3A_294, %broadcast_in_dim3A_266] : memref<64x128xf32, #tpu.memory_space<vmem>>[vector<16xi32>, vector<16xi32>], vector<16xf32>,
    %gather3A_296 = tpu.vector_load_idx %arg16[%add3A_294, %broadcast_in_dim3A_271] : memref<64x128xf32, #tpu.memory_space<vmem>>[vector<16xi32>, vector<16xi32>], vector<16xf32>,
    %mul3A_297 = arith.mulf %gather3A_295, %gather3A_296 : vector<16xf32>
    %add3A_298 = arith.addf %add3A_291, %mul3A_297 : vector<16xf32>
    %and3A_299 = arith.constant 511 : i32
    %and3A_300 = arith.constant 15 : i32
    %and3A_301 = arith.andi %and3A_299, %and3A_300 : i32
    %eq3A_302 = vector.broadcast %and3A_301 : i32 to vector<16xi32>
    %eq3A_303 = arith.cmpi eq, %iota3A, %eq3A_302 : vector<16xi32>
    %reduce_sum3A_304 = arith.constant true
    %reduce_sum3A_305 = vector.broadcast %reduce_sum3A_304 : i1 to vector<16xi1>
    %reduce_sum3A_306 = tpu.scan <sum>, %add3A_298 masked %reduce_sum3A_305 : vector<16xf32>, vector<16xi1> -> vector<16xf32>
    %reduce_sum3A_307 = vector.extract %reduce_sum3A_306[15] : f32 from vector<16xf32>
    %broadcast_in_dim3A_308 = vector.broadcast %reduce_sum3A_307 : f32 to vector<16xf32>
    %select_n3A_309 = arith.select %eq3A_303, %broadcast_in_dim3A_308, %select_n3A_243 : vector<16xi1>, vector<16xf32>
    %and3A_310 = arith.constant 511 : i32
    %and3A_311 = arith.constant 15 : i32
    %and3A_312 = arith.andi %and3A_310, %and3A_311 : i32
    %eq3A_313 = arith.constant 15 : i32
    %eq3A_314 = arith.cmpi eq, %and3A_312, %eq3A_313 : i32
    %convert_element_type3A_315 = arith.extui %eq3A_314 : i1 to i32
    %cond3A_316 = arith.constant 511 : i32
    %cond3A_317 = arith.constant 0 : i32
    %cond3A_318 = arith.cmpi ne, %convert_element_type3A_315, %cond3A_317 : i32
    scf.if %cond3A_318 {
      %neg3A = arith.constant 0.000000e+00 : f32
      %neg3A_368 = vector.broadcast %neg3A : f32 to vector<16xf32>
      %neg3A_369 = arith.subf %neg3A_368, %select_n3A_309 : vector<16xf32>
      %exp3A = math.exp %neg3A_369 : vector<16xf32>
      %add3A_370 = arith.constant 1.000000e+00 : f32
      %add3A_371 = vector.broadcast %add3A_370 : f32 to vector<16xf32>
      %add3A_372 = arith.addf %add3A_371, %exp3A : vector<16xf32>
      %div3A = arith.constant 1.000000e+00 : f32
      %div3A_373 = vector.broadcast %div3A : f32 to vector<16xf32>
      %div3A_374 = arith.divf %div3A_373, %add3A_372 : vector<16xf32>
      %shift_right_arithmetic3A_375 = arith.constant 4 : i32
      %shift_right_arithmetic3A_376 = arith.shrsi %cond3A_316, %shift_right_arithmetic3A_375 : i32
      %mul3A_377 = arith.constant 16 : i32
      %mul3A_378 = arith.muli %shift_right_arithmetic3A_376, %mul3A_377 : i32
      %swap3A = arith.index_cast %mul3A_378 : i32 to index
      %swap3A_379 = tpu.vector_load %arg21[%swap3A] {strides = array<i32>} : memref<512xf32, #tpu.memory_space<vmem>>, vector<16xf32>,
      tpu.vector_store %arg21[%swap3A], %div3A_374 {strides = array<i32>} : memref<512xf32, #tpu.memory_space<vmem>>, vector<16xf32>,
    } else {
    }
    %select_n3A_319 = arith.select %eq3A_314, %broadcast_in_dim3A_3, %select_n3A_309 : vector<16xf32>
    %dma_wait3A_320 = arith.constant 0 : i32
    %dma_wait3A_321 = arith.constant 0 : i32
    %dma_wait3A_322 = tpu.memref_slice %arg4[%dma_wait3A_320, %dma_wait3A_321] : memref<64x1000000xf32, #tpu.memory_space<hbm>> -> memref<64x128xf32, #tpu.memory_space<hbm>>
    %dma_wait3A_323 = arith.constant 0 : i32
    %dma_wait3A_324 = arith.constant 0 : i32
    %dma_wait3A_325 = tpu.memref_slice %arg4[%dma_wait3A_323, %dma_wait3A_324] : memref<64x1000000xf32, #tpu.memory_space<hbm>> -> memref<64x128xf32, #tpu.memory_space<hbm>>
    tpu.wait_dma2 semaphore(%arg24 : memref<!tpu.dma_semaphore, #tpu.memory_space<semaphore_mem>>) src(%dma_wait3A_325 : memref<64x128xf32, #tpu.memory_space<hbm>>) dst(%arg9 : memref<64x128xf32, #tpu.memory_space<vmem>>)
    %dma_wait3A_326 = arith.constant 0 : i32
    %dma_wait3A_327 = arith.constant 0 : i32
    %dma_wait3A_328 = tpu.memref_slice %arg4[%dma_wait3A_326, %dma_wait3A_327] : memref<64x1000000xf32, #tpu.memory_space<hbm>> -> memref<64x128xf32, #tpu.memory_space<hbm>>
    %dma_wait3A_329 = arith.constant 0 : i32
    %dma_wait3A_330 = arith.constant 0 : i32
    %dma_wait3A_331 = tpu.memref_slice %arg4[%dma_wait3A_329, %dma_wait3A_330] : memref<64x1000000xf32, #tpu.memory_space<hbm>> -> memref<64x128xf32, #tpu.memory_space<hbm>>
    tpu.wait_dma2 semaphore(%arg24 : memref<!tpu.dma_semaphore, #tpu.memory_space<semaphore_mem>>) src(%dma_wait3A_331 : memref<64x128xf32, #tpu.memory_space<hbm>>) dst(%arg9 : memref<64x128xf32, #tpu.memory_space<vmem>>)
    %dma_wait3A_332 = arith.constant 0 : i32
    %dma_wait3A_333 = arith.constant 0 : i32
    %dma_wait3A_334 = tpu.memref_slice %arg4[%dma_wait3A_332, %dma_wait3A_333] : memref<64x1000000xf32, #tpu.memory_space<hbm>> -> memref<64x128xf32, #tpu.memory_space<hbm>>
    %dma_wait3A_335 = arith.constant 0 : i32
    %dma_wait3A_336 = arith.constant 0 : i32
    %dma_wait3A_337 = tpu.memref_slice %arg4[%dma_wait3A_335, %dma_wait3A_336] : memref<64x1000000xf32, #tpu.memory_space<hbm>> -> memref<64x128xf32, #tpu.memory_space<hbm>>
    tpu.wait_dma2 semaphore(%arg25 : memref<!tpu.dma_semaphore, #tpu.memory_space<semaphore_mem>>) src(%dma_wait3A_337 : memref<64x128xf32, #tpu.memory_space<hbm>>) dst(%arg9 : memref<64x128xf32, #tpu.memory_space<vmem>>)
    %dma_wait3A_338 = arith.constant 0 : i32
    %dma_wait3A_339 = arith.constant 0 : i32
    %dma_wait3A_340 = tpu.memref_slice %arg4[%dma_wait3A_338, %dma_wait3A_339] : memref<64x1000000xf32, #tpu.memory_space<hbm>> -> memref<64x128xf32, #tpu.memory_space<hbm>>
    %dma_wait3A_341 = arith.constant 0 : i32
    %dma_wait3A_342 = arith.constant 0 : i32
    %dma_wait3A_343 = tpu.memref_slice %arg4[%dma_wait3A_341, %dma_wait3A_342] : memref<64x1000000xf32, #tpu.memory_space<hbm>> -> memref<64x128xf32, #tpu.memory_space<hbm>>
    tpu.wait_dma2 semaphore(%arg25 : memref<!tpu.dma_semaphore, #tpu.memory_space<semaphore_mem>>) src(%dma_wait3A_343 : memref<64x128xf32, #tpu.memory_space<hbm>>) dst(%arg9 : memref<64x128xf32, #tpu.memory_space<vmem>>)
    %dma_wait3A_344 = arith.constant 0 : i32
    %dma_wait3A_345 = arith.constant 0 : i32
    %dma_wait3A_346 = tpu.memref_slice %arg4[%dma_wait3A_344, %dma_wait3A_345] : memref<64x1000000xf32, #tpu.memory_space<hbm>> -> memref<64x128xf32, #tpu.memory_space<hbm>>
    %dma_wait3A_347 = arith.constant 0 : i32
    %dma_wait3A_348 = arith.constant 0 : i32
    %dma_wait3A_349 = tpu.memref_slice %arg4[%dma_wait3A_347, %dma_wait3A_348] : memref<64x1000000xf32, #tpu.memory_space<hbm>> -> memref<64x128xf32, #tpu.memory_space<hbm>>
    tpu.wait_dma2 semaphore(%arg26 : memref<!tpu.dma_semaphore, #tpu.memory_space<semaphore_mem>>) src(%dma_wait3A_349 : memref<64x128xf32, #tpu.memory_space<hbm>>) dst(%arg9 : memref<64x128xf32, #tpu.memory_space<vmem>>)
    %dma_wait3A_350 = arith.constant 0 : i32
    %dma_wait3A_351 = arith.constant 0 : i32
    %dma_wait3A_352 = tpu.memref_slice %arg4[%dma_wait3A_350, %dma_wait3A_351] : memref<64x1000000xf32, #tpu.memory_space<hbm>> -> memref<64x128xf32, #tpu.memory_space<hbm>>
    %dma_wait3A_353 = arith.constant 0 : i32
    %dma_wait3A_354 = arith.constant 0 : i32
    %dma_wait3A_355 = tpu.memref_slice %arg4[%dma_wait3A_353, %dma_wait3A_354] : memref<64x1000000xf32, #tpu.memory_space<hbm>> -> memref<64x128xf32, #tpu.memory_space<hbm>>
    tpu.wait_dma2 semaphore(%arg26 : memref<!tpu.dma_semaphore, #tpu.memory_space<semaphore_mem>>) src(%dma_wait3A_355 : memref<64x128xf32, #tpu.memory_space<hbm>>) dst(%arg9 : memref<64x128xf32, #tpu.memory_space<vmem>>)
    %dma_wait3A_356 = arith.constant 0 : i32
    %dma_wait3A_357 = arith.constant 0 : i32
    %dma_wait3A_358 = tpu.memref_slice %arg4[%dma_wait3A_356, %dma_wait3A_357] : memref<64x1000000xf32, #tpu.memory_space<hbm>> -> memref<64x128xf32, #tpu.memory_space<hbm>>
    %dma_wait3A_359 = arith.constant 0 : i32
    %dma_wait3A_360 = arith.constant 0 : i32
    %dma_wait3A_361 = tpu.memref_slice %arg4[%dma_wait3A_359, %dma_wait3A_360] : memref<64x1000000xf32, #tpu.memory_space<hbm>> -> memref<64x128xf32, #tpu.memory_space<hbm>>
    tpu.wait_dma2 semaphore(%arg27 : memref<!tpu.dma_semaphore, #tpu.memory_space<semaphore_mem>>) src(%dma_wait3A_361 : memref<64x128xf32, #tpu.memory_space<hbm>>) dst(%arg9 : memref<64x128xf32, #tpu.memory_space<vmem>>)
    %dma_wait3A_362 = arith.constant 0 : i32
    %dma_wait3A_363 = arith.constant 0 : i32
    %dma_wait3A_364 = tpu.memref_slice %arg4[%dma_wait3A_362, %dma_wait3A_363] : memref<64x1000000xf32, #tpu.memory_space<hbm>> -> memref<64x128xf32, #tpu.memory_space<hbm>>
    %dma_wait3A_365 = arith.constant 0 : i32
    %dma_wait3A_366 = arith.constant 0 : i32
    %dma_wait3A_367 = tpu.memref_slice %arg4[%dma_wait3A_365, %dma_wait3A_366] : memref<64x1000000xf32, #tpu.memory_space<hbm>> -> memref<64x128xf32, #tpu.memory_space<hbm>>
    tpu.wait_dma2 semaphore(%arg27 : memref<!tpu.dma_semaphore, #tpu.memory_space<semaphore_mem>>) src(%dma_wait3A_367 : memref<64x128xf32, #tpu.memory_space<hbm>>) dst(%arg9 : memref<64x128xf32, #tpu.memory_space<vmem>>)
    "tpu.region"() ({
      %run_scoped3A = tpu.sem_alloc : memref<!tpu.dma_semaphore, #tpu.memory_space<semaphore_mem>>
      %dma_start3A_368 = tpu.memref_slice %arg6[%mul3A_2] : memref<16384xf32, #tpu.memory_space<hbm>> -> memref<512xf32, #tpu.memory_space<hbm>>
      %dma_start3A_369 = tpu.memref_slice %arg6[%mul3A_2] : memref<16384xf32, #tpu.memory_space<hbm>> -> memref<512xf32, #tpu.memory_space<hbm>>
      tpu.enqueue_dma source(%arg21 : memref<512xf32, #tpu.memory_space<vmem>>) target(%dma_start3A_369 : memref<512xf32, #tpu.memory_space<hbm>>) target_semaphore(%run_scoped3A : memref<!tpu.dma_semaphore, #tpu.memory_space<semaphore_mem>>)
      %dma_wait3A_370 = tpu.memref_slice %arg6[%mul3A_2] : memref<16384xf32, #tpu.memory_space<hbm>> -> memref<512xf32, #tpu.memory_space<hbm>>
      %dma_wait3A_371 = tpu.memref_slice %arg6[%mul3A_2] : memref<16384xf32, #tpu.memory_space<hbm>> -> memref<512xf32, #tpu.memory_space<hbm>>
      tpu.wait_dma2 semaphore(%run_scoped3A : memref<!tpu.dma_semaphore, #tpu.memory_space<semaphore_mem>>) src(%arg21 : memref<512xf32, #tpu.memory_space<vmem>>) dst(%dma_wait3A_371 : memref<512xf32, #tpu.memory_space<hbm>>)
      tpu.yield
    }) : () -> ()
    return
  }
}

</mosaic_0001>

<sc_bundles>
// kernel: kernel.3.cloned.1.call-start
scs
__scs_entry_jumppad:
0x0: {  	(pc) =	sbr.rel $0x88, $3  }
0x1: {  	(tag) =	ssettag $0x0;
	lr =	simm.s32 $0x1  }
0x2: {  	[smem:$0x3F9D] =	sst lr;
	_ =	strace $0xD0000000  }
0x3: {  	_ = 	snop  }
0x4: {  	_ = 	snop  }
0x5: {  	_ = 	snop  }
0x6: {  	_ = 	snop  }
0x7: {  	_ = 	snop  }
__scs_overlays_trampoline_lowered:
0x8: {  	[smem:$0x3FAC] =	sst s0  }
0x9: {  	[smem:$0x3FAD] =	sst s1  }
0xa: {  	[smem:$0x3FAE] =	sst s2  }
0xb: {  	[smem:$0x3FAF] =	sst s3  }
0xc: {  	[smem:$0x3FB0] =	sst s4  }
0xd: {  	[smem:$0x3FB1] =	sst s5  }
0xe: {  	[smem:$0x3FB2] =	sst s6  }
0xf: {  	[smem:$0x3FB3] =	sst s7  }
0x10: {  	[smem:$0x3FB4] =	sst s8  }
0x11: {  	[smem:$0x3FB5] =	sst s9;
	s0 =	simm.s32 @!p0 $0x0  }
0x12: {  	s1 =	sld [smem:$0x3F9B];
	s0 =	simm.s32 @p0 $0x1  }
0x13: {  	[smem:$0x3FB6] =	sst s0;
	s0 =	simm.s32 @!p1 $0x0  }
0x14: {  	s2 =	sld [smem:$0x3F9A];
	s0 =	simm.s32 @p1 $0x1  }
0x15: {  	[smem:$0x3FB7] =	sst s0;
	s0 =	simm.s32 @!p2 $0x0  }
0x16: {  	s3 =	sld [smem:$0x3FDB];
	s0 =	simm.s32 @p2 $0x1  }
0x17: {  	s4 =	simm.s32 $0x1BF5;
	[smem:$0x3FB9] =	sst s0  }
0x18: {  	s0 =	sld [smem:$0x3F9C];
	_ =	swait.ge [sflag:s4], $0x0  }
0x19: {  	s7 =	sld [smem:$0x3F9D]  }
0x1a: {  	s8 =	sadd.s32 $0xFFFFE003, lr  }
0x1b: {  	s9 =	sadd.s32 $0xFFFFFEF7, lr;
	s5 =	simm.s32 $0xFFFFFFFF;
	p2 =	slt.u32 s8, $0xFFFFF086  }
0x1c: {  	p1 =	slt.u32 s9, $0xF7A;
	s5 =	simm.s32 @!p2 $0x0  }
0x1d: {  	s5 =	simm.s32 @p1 $0x1;
	p0 =	seq.s32 s7, s2  }
0x1e: {  	s7 =	smul.u32 @!p0 $0xF7A, s2;
	p2 =	seq.s32 @!p0 s5, $0x0  }
0x1f: {  	s9 =	smul.u32 $0xF7A, s1;
	s8 =	simm.s32 @!p0 $0x1BF5;
	p2 =	por !p2, p0  }
0x20: {  	[sflag:s8] =	ssyncset.s32 @!p0 $0xFFFFF086;
	s6 =	sadd.s32 @!p0 s3, s7;
	s7 =	simm.s32 @!p0 $0x108  }
0x21: {  	s3 =	sadd.s32 s3, s9;
	s6 =	sadd.s32 @!p0 $0x88, s6;
	s7 =	simm.s32 @p2 $0x1082  }
0x22: {  	[simem:s7], [sflag:s8] =	dma.local @!p0 [hbm:s6], $0xF7A  }
0x23: {  	s9 =	sor.u32 $0xD0000000, s2;
	s6 =	simm.s32 $0x108;
	_ =	swait.ge @!p0 [sflag:s8], $0x0  }
0x24: {  	s3 =	sadd.s32 $0x88, s3;
	s6 =	simm.s32 @!p1 $0x1082;
	[sflag:s4] =	ssyncset.s32 $0xFFFFF086  }
0x25: {  	[simem:s6], [sflag:s4] =	dma.local [hbm:s3], $0xF7A  }
0x26: {  	[smem:$0x3F9D] =	sst s1;
	(tag) =	ssettag s2;
	_ =	strace s9  }
0x27: {  	s1 =	sld [smem:$0x3FAD]  }
0x28: {  	s2 =	sld [smem:$0x3FAE]  }
0x29: {  	s4 =	sld [smem:$0x3FB0]  }
0x2a: {  	p0 =	seq.s32 s5, $0x0;
	s5 =	sld [smem:$0x3FB1]  }
0x2b: {  	s6 =	sld [smem:$0x3FB2]  }
0x2c: {  	s7 =	sld [smem:$0x3FB3]  }
0x2d: {  	s3 =	simm.s32 $0x108;
	s8 =	sld [smem:$0x3FB4]  }
0x2e: {  	s3 =	simm.s32 @!p0 $0x1082;
	s9 =	sld [smem:$0x3FB5]  }
0x2f: {  	lr =	sadd.s32 s0, s3;
	s0 =	sld [smem:$0x3FAC]  }
0x30: {  	s3 =	sld [smem:$0x3FAF]  }
0x31: {  	[smem:$0x3FB8] =	sst s10  }
0x32: {  	s10 =	sld [smem:$0x3FB6];
	_ =	sdelay $0x3  }
0x33: {  	p0 =	seq.s32 s10, $0x1;
	s10 =	sld [smem:$0x3FB8];
	_ =	sdelay $0x3  }
0x34: {  	[smem:$0x3FB8] =	sst s10  }
0x35: {  	s10 =	sld [smem:$0x3FB7];
	_ =	sdelay $0x3  }
0x36: {  	p1 =	seq.s32 s10, $0x1;
	s10 =	sld [smem:$0x3FB8];
	_ =	sdelay $0x3  }
0x37: {  	[smem:$0x3FB8] =	sst s10  }
0x38: {  	s10 =	sld [smem:$0x3FB9]  }
0x39: {  	_ = 	snop;
	(pc) =	sbr.ind lr, $3  }
0x3a: {  	_ = 	snop  }
0x3b: {  	_ = 	snop  }
0x3c: {  	p2 =	seq.s32 s10, $0x1;
	s10 =	sld [smem:$0x3FB8]  }
0x3d: {  	_ =	shalt  }
0x3e: {  	_ =	shalt  }
0x3f: {  	_ =	shalt  }
0x40: {  	_ =	shalt  }
0x41: {  	_ =	shalt  }
0x42: {  	_ =	shalt  }
0x43: {  	_ =	shalt  }
0x44: {  	_ =	shalt  }
0x45: {  	_ =	shalt  }
0x46: {  	_ =	shalt  }
0x47: {  	_ =	shalt  }
0x48: {  	_ =	shalt  }
0x49: {  	_ =	shalt  }
0x4a: {  	_ =	shalt  }
0x4b: {  	_ =	shalt  }
0x4c: {  	_ =	shalt  }
0x4d: {  	_ =	shalt  }
0x4e: {  	_ =	shalt  }
0x4f: {  	_ =	shalt  }
0x50: {  	_ =	shalt  }
0x51: {  	_ =	shalt  }
0x52: {  	_ =	shalt  }
0x53: {  	_ =	shalt  }
0x54: {  	_ =	shalt  }
0x55: {  	_ =	shalt  }
0x56: {  	_ =	shalt  }
0x57: {  	_ =	shalt  }
0x58: {  	_ =	shalt  }
0x59: {  	_ =	shalt  }
0x5a: {  	_ =	shalt  }
0x5b: {  	_ =	shalt  }
0x5c: {  	_ =	shalt  }
0x5d: {  	_ =	shalt  }
0x5e: {  	_ =	shalt  }
0x5f: {  	_ =	shalt  }
0x60: {  	_ =	shalt  }
0x61: {  	_ =	shalt  }
0x62: {  	_ =	shalt  }
0x63: {  	_ =	shalt  }
0x64: {  	_ =	shalt  }
0x65: {  	_ =	shalt  }
0x66: {  	_ =	shalt  }
0x67: {  	_ =	shalt  }
0x68: {  	_ =	shalt  }
0x69: {  	_ =	shalt  }
0x6a: {  	_ =	shalt  }
0x6b: {  	_ =	shalt  }
0x6c: {  	_ =	shalt  }
0x6d: {  	_ =	shalt  }
0x6e: {  	_ =	shalt  }
0x6f: {  	_ =	shalt  }
0x70: {  	_ =	shalt  }
0x71: {  	_ =	shalt  }
0x72: {  	_ =	shalt  }
0x73: {  	_ =	shalt  }
0x74: {  	_ =	shalt  }
0x75: {  	_ =	shalt  }
0x76: {  	_ =	shalt  }
0x77: {  	_ =	shalt  }
0x78: {  	_ =	shalt  }
0x79: {  	_ =	shalt  }
0x7a: {  	_ =	shalt  }
0x7b: {  	_ =	shalt  }
0x7c: {  	_ =	shalt  }
0x7d: {  	_ =	shalt  }
0x7e: {  	_ =	shalt  }
0x7f: {  	_ =	shalt  }
0x80: {  	_ =	shalt  }
0x81: {  	_ =	shalt  }
0x82: {  	_ =	shalt  }
0x83: {  	_ =	shalt  }
0x84: {  	_ =	shalt  }
0x85: {  	_ =	shalt  }
0x86: {  	_ =	shalt  }
0x87: {  	_ =	shalt  }
.Lfunc_end0:
.L_simem_size_0:
called_computation_lowered:
.L_overlay_start_0:
0x88: {  	s2 =	sld [smem:$0x3FD9]  }
0x89: {  	s3 =	sld [smem:$0x3FFE];
	_ =	sdelay $0x1  }
0x8a: {  	s1 =	srdreg.scid  }
0x8b: {  	s0 =	sand.u32 $0x1, s1  }
0x8c: {  	s18 =	sshll.u32 s0, $0xA;
	s2 =	sadd.s32 s3, s2  }
0x8d: {  	s2 =	sadd.s32 s2, s18  }
0x8e: {  	[smem:$0x3FC4] =	sst s2  }
0x8f: {  	_ = 	snop  }
0x90: {  	s2 =	sld [smem:$0x3FC9]  }
0x91: {  	s19 =	sld [smem:$0x3FC8]  }
0x92: {  	s4 =	sld [smem:$0x3FC7]  }
0x93: {  	s5 =	sld [smem:$0x3FC6]  }
0x94: {  	s6 =	sld [smem:$0x3FD0];
	(tm) =	ssettm $0x1  }
0x95: {  	s7 =	sld [smem:$0x3FFB];
	_ =	sdelay $0x3  }
0x96: {  	_ =	strace s7  }
0x97: {  	s7 =	sld [smem:$0x3FFC];
	_ =	sdelay $0x3  }
0x98: {  	_ =	strace s7  }
0x99: {  	s7 =	sld [smem:$0x3FFD];
	_ =	sdelay $0x3  }
0x9a: {  	_ =	strace s7  }
0x9b: {  	_ =	strace $0x8FFFFFFF  }
0x9c: {  	s20 =	sld [smem:$0x3FDB];
	_ =	sdelay $0x1  }
0x9d: {  	s8 =	simm.s32 $_scs_section_size  }
0x9e: {  	s9 =	simm.s32 $_size__tile_overlayer_lowered;
	s10 =	simm.s32 $_tile_overlayer_lowered  }
0x9f: {  	s23 =	simm.s32 $0x1BFF;
	s22 =	sshll.u32 s10, $0x1;
	s7 =	sadd.s32 s8, s20  }
0xa0: {  	s11 =	simm.s32 $0x0;
	s21 =	sshll.u32 s9, $0x1;
	s9 =	sadd.s32 s22, s7  }
0xa1: {  	[timem:s11], [sflag:s23] =	dma.local [hbm:s9], s21  }
0xa2: {  	_ =	swait.ge [sflag:s23], s21  }
0xa3: {  	s8 =	ssub.s32 $0x0, s21;
	[sflag:s23] =	ssyncset.done $0x0  }
0xa4: {  	[sflag:s23] =	ssyncadd.s32 s8;
	_ =	sdelay $0x1  }
0xa5: {  	s24 =	simm.s32 $0x1B8B  }
0xa6: {  	_ =	swait.ge [sflag:s24], $0x1  }
0xa7: {  	[sflag:s24] =	ssyncset.done $0x0  }
0xa8: {  	s25 =	simm.s32 $0x1B8E;
	[sflag:s24] =	ssyncadd.s32 $0xFFFFFFFF  }
0xa9: {  	s26 =	simm.s32 $execute0_lowered;
	[smem:$0x3FD2] =	sst s25  }
0xaa: {  	s8 =	sshll.u32 s26, $0x1;
	_ =	strace $0x80000046;
	[dreg:$0x1] =	wrdreg $0xFFFFFFFF  }
0xab: {  	s28 =	simm.s32 $_size_execute0_lowered;
	s7 =	sadd.s32 s7, s8;
	[dreg:$0x0] =	wrdreg $0x0  }
0xac: {  	s8 =	sshll.u32 s28, $0x1;
	[dreg:$0x2] =	wrdreg s7  }
0xad: {  	[dreg:$0x3] =	wrdreg s8  }
0xae: {  	[dreg:$0x4] =	wrdreg $0xC0  }
0xaf: {  	_ =	task [dreg:s11], $0x5FFFF  }
0xb0: {  	[dreg:$0x1] =	wrdreg $0xFFFFFFFF  }
0xb1: {  	[dreg:$0x0] =	wrdreg $0x60  }
0xb2: {  	[dreg:$0x2] =	wrdreg s2  }
0xb3: {  	[dreg:$0x3] =	wrdreg s19  }
0xb4: {  	[dreg:$0x4] =	wrdreg s4  }
0xb5: {  	[dreg:$0x5] =	wrdreg s5  }
0xb6: {  	[dreg:$0x6] =	wrdreg s6  }
0xb7: {  	[dreg:$0x7] =	wrdreg $0x9  }
0xb8: {  	_ =	task.clear_ibuf [dreg:s11], $0x8FFFF;
	_ =	strace $0x90000046  }
0xb9: {  	s29 =	simm.s32 $0x9;
	_ =	strace $0x80000048  }
0xba: {  	_ =	swait.ge [sflag:s29], $0x1  }
0xbb: {  	[sflag:s29] =	ssyncadd.s32 $0xFFFFFFFF  }
0xbc: {  	_ =	strace $0x90000048  }
0xbd: {  	_ =	sfence  }
0xbe: {  	s30 =	sld [smem:$0x0];
	_ =	sdelay $0x2  }
0xbf: {  	s31 =	sshll.u32 s1, $0xD;
	s1 =	sshrl.u32 s1, $0x2  }
0xc0: {  	s3 =	sand.u32 $0x4000, s31;
	s1 =	sadd.s32 s1, s30  }
0xc1: {  	s0 =	sor.u32 s3, s0;
	s1 =	sshll.u32 s1, $0x11  }
0xc2: {  	s0 =	sor.u32 s1, s0  }
0xc3: {  	s0 =	sadd.s32 $0x8F2B, s0  }
0xc4: {  	[sflag:s0] =	ssyncadd.remote.s32 $0x1  }
0xc5: {  	_ =	sfence.sel $0xFFFF  }
0xc6: {  	[dreg:$0x0] =	wrdreg $0xFFFFFFFF;
	(pc) =	sbr.abs _section_cstart, $3  }
0xc7: {  	[dreg:$0x1] =	wrdreg $0xFFFFFFFF  }
0xc8: {  	_ =	task.clear_ibuf [dreg:s11], $0x2FFFF;
	_ =	strace $0x9FFFFFFF  }
0xc9: {  	(tm) =	ssettm $0x7FFFFFFF  }
tec
execute0_lowered:
.L_overlay_start_1:
0x0: {  	(tag) =	ssettag $0x1  }
0x1: {  	s0 =	rddreg [dreg:$0x0]  }
0x2: {  	s3 =	rddreg [dreg:$0x1]  }
0x3: {  	s1 =	rddreg [dreg:$0x2]  }
0x4: {  	s2 =	rddreg [dreg:$0x3]  }
0x5: {  	s5 =	rddreg [dreg:$0x4]  }
0x6: {  	s6 =	srdreg.scid;
	s4 =	simm.s32 $0x0;
	s8 =	stileid.u32  }
0x7: {  	s11 =	simm.s32 $0x400;
	s12 =	simm.s32 $0x7A1400;
	s13 =	simm.s32 $0x500  }
0x8: {  	s14 =	simm.s32 $0xC500;
	s15 =	simm.s32 $0x2500;
	s16 =	simm.s32 $0xE500  }
0x9: {  	s17 =	simm.s32 $0x4500;
	s18 =	simm.s32 $0x10500;
	s19 =	simm.s32 $0x6500  }
0xa: {  	s20 =	simm.s32 $0x12500;
	s21 =	simm.s32 $0x8500;
	s22 =	simm.s32 $0x14500  }
0xb: {  	s23 =	simm.s32 $0xA500;
	s28 =	simm.s32 $0x3;
	s6 =	sand.u32 $0x1, s6  }
0xc: {  	s8 =	sshll.u32 s8, $0x7;
	s7 =	ssub.s32 $0x2, s6;
	s6 =	sshll.u32 s6, $0x6  }
0xd: {  	s29 =	simm.s32 $0x4;
	s30 =	simm.s32 $0x5;
	s8 =	sor.u32 s6, s8  }
0xe: {  	s31 =	simm.s32 $0x6;
	[smem:$0x7FF] =	sst s4;
	s0 =	sadd.s32 s0, s8  }
0xf: {  	_ =	strace $0x80000047;
	s24 =	sadd.s32 s3, s8;
	[dreg:$0x6] =	wrdreg s0  }
0x10: {  	v0 =	vlaneseq.u32;
	s9 =	sshrl.u32 s7, $0x1;
	s25 =	sadd.s32 s5, s8;
	[dreg:$0x7] =	wrdreg s24  }
0x11: {  	v1 =	vmul.u32 $0x80, v0;
	s9 =	ssub.s32 s7, s9;
	s3 =	simm.s32 $0x0;
	[dreg:$0x8] =	wrdreg s25  }
0x12: {  	vm0 =	vcmask $0x3B38;
	vm1 =	vmmov $0x7fff;
	s26 =	smax.u32 s9, $0x1;
	s9 =	simm.s32 $0x7;
	s24 =	simm.s32 $0x16500  }
0x13: {  	v2 =	vor.u32 $0x800, v1;
	v3 =	vor.u32 $0x1000, v1;
	v4 =	vor.u32 $0x1800, v1;
	s25 =	simm.s32 $0x1;
	[dreg:$0x9] =	wrdreg s26;
	s26 =	simm.s32 $0x2  }
.LBB2_1:
0x14: {  	s0 =	rddreg [dreg:$0x6]  }
0x15: {  	[tilespmem:s4], [sflag:$0x7] =	stream.linear.gather [hbm4b:s0+s4], $0x200, $0x38;
	[tilespmem:$0x18700] =	vst v63  }
0x16: {  	_ =	swait.ge [sflag:s9], $0x200  }
0x17: {  	[sflag:s9] =	ssyncset.done $0x0  }
0x18: {  	s5 =	simm.s32 $0x280;
	s7 =	rddreg [dreg:$0x7];
	[sflag:s9] =	ssyncadd.s32 $0xFFFFFE00  }
0x19: {  	[tilespmem:s5], [sflag:$0x7] =	stream.linear.gather [hbm4b:s7+s4], $0x200, $0x38;
	[tilespmem:$0x18700] =	vst v63  }
0x1a: {  	_ =	swait.ge [sflag:s9], $0x200  }
0x1b: {  	[sflag:s9] =	ssyncset.done $0x0  }
0x1c: {  	[sflag:s9] =	ssyncadd.s32 $0xFFFFFE00  }
0x1d: {  	v5 =	vld [tilespmem:$0x0];
	_ =	sdelay $0x1  }
0x1e: {  	v6 =	vld [tilespmem:$0x280];
	_ =	sdelay $0x2  }
0x1f: {  	(v2sf) =	vpush v5, $0x0;
	_ =	sdelay $0x1  }
0x20: {  	(v2sf) =	vpush v6, $0x0;
	_ =	sdelay $0xc  }
0x21: {  	s8 =	spop (v2sf)  }
0x22: {  	s0 =	sand.u32 $0xFFFFF80, s8  }
0x23: {  	s10 =	spop (v2sf);
	s0 =	sadd.s32 s1, s0  }
0x24: {  	[tilespmem:s13], [sflag:$0x1] =	stream.strided.gather [hbm4b:s0+s11], $0x2000, s12, s11, $0x38;
	[tilespmem:$0x18700] =	vst v63  }
0x25: {  	s0 =	sand.u32 $0xFFFFF80, s10  }
0x26: {  	s0 =	sadd.s32 s2, s0  }
0x27: {  	[tilespmem:s14], [sflag:$0x1] =	stream.strided.gather [hbm4b:s0+s11], $0x2000, s12, s11, $0x38;
	[tilespmem:$0x18700] =	vst v63  }
0x28: {  	v5 =	vld [tilespmem:$0x1];
	_ =	sdelay $0x1  }
0x29: {  	v6 =	vld [tilespmem:$0x281];
	_ =	sdelay $0x2  }
0x2a: {  	(v2sf) =	vpush v5, $0x0;
	_ =	sdelay $0x1  }
0x2b: {  	(v2sf) =	vpush v6, $0x0;
	_ =	sdelay $0xc  }
0x2c: {  	s5 =	spop (v2sf)  }
0x2d: {  	s0 =	sand.u32 $0xFFFFF80, s5  }
0x2e: {  	s6 =	spop (v2sf);
	s0 =	sadd.s32 s1, s0  }
0x2f: {  	[tilespmem:s15], [sflag:$0x2] =	stream.strided.gather [hbm4b:s0+s11], $0x2000, s12, s11, $0x38;
	[tilespmem:$0x18700] =	vst v63  }
0x30: {  	s0 =	sand.u32 $0xFFFFF80, s6  }
0x31: {  	s0 =	sadd.s32 s2, s0  }
0x32: {  	[tilespmem:s16], [sflag:$0x2] =	stream.strided.gather [hbm4b:s0+s11], $0x2000, s12, s11, $0x38;
	[tilespmem:$0x18700] =	vst v63  }
0x33: {  	v5 =	vld [tilespmem:$0x2];
	_ =	sdelay $0x1  }
0x34: {  	v6 =	vld [tilespmem:$0x282];
	_ =	sdelay $0x2  }
0x35: {  	(v2sf) =	vpush v5, $0x0;
	_ =	sdelay $0x1  }
0x36: {  	(v2sf) =	vpush v6, $0x0;
	_ =	sdelay $0xc  }
0x37: {  	s7 =	spop (v2sf)  }
0x38: {  	s0 =	sand.u32 $0xFFFFF80, s7  }
0x39: {  	s8 =	spop (v2sf);
	s0 =	sadd.s32 s1, s0  }
0x3a: {  	[tilespmem:s17], [sflag:$0x3] =	stream.strided.gather [hbm4b:s0+s11], $0x2000, s12, s11, $0x38;
	[tilespmem:$0x18700] =	vst v63  }
0x3b: {  	s0 =	sand.u32 $0xFFFFF80, s8  }
0x3c: {  	s0 =	sadd.s32 s2, s0  }
0x3d: {  	[tilespmem:s18], [sflag:$0x3] =	stream.strided.gather [hbm4b:s0+s11], $0x2000, s12, s11, $0x38;
	[tilespmem:$0x18700] =	vst v63  }
0x3e: {  	v5 =	vld [tilespmem:$0x3];
	_ =	sdelay $0x1  }
0x3f: {  	v6 =	vld [tilespmem:$0x283];
	_ =	sdelay $0x2  }
0x40: {  	(v2sf) =	vpush v5, $0x0;
	_ =	sdelay $0x1  }
0x41: {  	(v2sf) =	vpush v6, $0x0;
	_ =	sdelay $0xc  }
0x42: {  	s10 =	spop (v2sf)  }
0x43: {  	s0 =	sand.u32 $0xFFFFF80, s10  }
0x44: {  	s5 =	spop (v2sf);
	s0 =	sadd.s32 s1, s0  }
0x45: {  	[tilespmem:s19], [sflag:$0x4] =	stream.strided.gather [hbm4b:s0+s11], $0x2000, s12, s11, $0x38;
	[tilespmem:$0x18700] =	vst v63  }
0x46: {  	s0 =	sand.u32 $0xFFFFF80, s5  }
0x47: {  	s0 =	sadd.s32 s2, s0  }
0x48: {  	[tilespmem:s20], [sflag:$0x4] =	stream.strided.gather [hbm4b:s0+s11], $0x2000, s12, s11, $0x38;
	[tilespmem:$0x18700] =	vst v63  }
0x49: {  	v5 =	vld [tilespmem:$0x4];
	_ =	sdelay $0x1  }
0x4a: {  	v6 =	vld [tilespmem:$0x284];
	_ =	sdelay $0x2  }
0x4b: {  	(v2sf) =	vpush v5, $0x0;
	_ =	sdelay $0x1  }
0x4c: {  	(v2sf) =	vpush v6, $0x0;
	_ =	sdelay $0xc  }
0x4d: {  	s6 =	spop (v2sf)  }
0x4e: {  	s0 =	sand.u32 $0xFFFFF80, s6  }
0x4f: {  	s7 =	spop (v2sf);
	s0 =	sadd.s32 s1, s0  }
0x50: {  	[tilespmem:s21], [sflag:$0x5] =	stream.strided.gather [hbm4b:s0+s11], $0x2000, s12, s11, $0x38;
	[tilespmem:$0x18700] =	vst v63  }
0x51: {  	s0 =	sand.u32 $0xFFFFF80, s7  }
0x52: {  	s0 =	sadd.s32 s2, s0  }
0x53: {  	[tilespmem:s22], [sflag:$0x5] =	stream.strided.gather [hbm4b:s0+s11], $0x2000, s12, s11, $0x38;
	[tilespmem:$0x18700] =	vst v63  }
0x54: {  	v5 =	vld [tilespmem:$0x5];
	_ =	sdelay $0x1  }
0x55: {  	v6 =	vld [tilespmem:$0x285];
	_ =	sdelay $0x2  }
0x56: {  	(v2sf) =	vpush v5, $0x0;
	_ =	sdelay $0x1  }
0x57: {  	(v2sf) =	vpush v6, $0x0;
	_ =	sdelay $0xc  }
0x58: {  	s8 =	spop (v2sf)  }
0x59: {  	s0 =	sand.u32 $0xFFFFF80, s8  }
0x5a: {  	s10 =	spop (v2sf);
	s0 =	sadd.s32 s1, s0  }
0x5b: {  	[tilespmem:s23], [sflag:$0x6] =	stream.strided.gather [hbm4b:s0+s11], $0x2000, s12, s11, $0x38;
	[tilespmem:$0x18700] =	vst v63  }
0x5c: {  	s0 =	sand.u32 $0xFFFFF80, s10  }
0x5d: {  	s0 =	sadd.s32 s2, s0  }
0x5e: {  	[tilespmem:s24], [sflag:$0x6] =	stream.strided.gather [hbm4b:s0+s11], $0x2000, s12, s11, $0x38;
	[tilespmem:$0x18700] =	vst v63  }
0x5f: {  	s5 =	simm.s32 $0x0;
	v5 =	vimm.f32 $0.0e+00;
	s10 =	simm.s32 $0x284;
	s0 =	simm.s32 $0x4  }
.LBB2_2:
0x60: {  	_ =	swait.ge [sflag:s25], $0x2000  }
0x61: {  	[sflag:s25] =	ssyncset.done $0x0  }
0x62: {  	[sflag:s25] =	ssyncadd.s32 $0xFFFFE000  }
0x63: {  	_ =	swait.ge [sflag:s25], $0x2000  }
0x64: {  	[sflag:s25] =	ssyncset.done $0x0  }
0x65: {  	[sflag:s25] =	ssyncadd.s32 $0xFFFFE000  }
0x66: {  	v6 =	vld [tilespmem:s0+$0xFFFFFFFC];
	_ =	sdelay $0x1  }
0x67: {  	v7 =	vld [tilespmem:s10+$0xFFFFFFFC];
	_ =	sdelay $0x2  }
0x68: {  	(v2sf) =	vpush v6, $0x0;
	_ =	sdelay $0x1  }
0x69: {  	(v2sf) =	vpush v7, $0x0;
	_ =	sdelay $0xc  }
0x6a: {  	s6 =	spop (v2sf)  }
0x6b: {  	s6 =	sand.u32 $0x7F, s6  }
0x6c: {  	s7 =	spop (v2sf);
	v6 =	vor.u32 s6, v1  }
0x6d: {  	s7 =	sand.u32 $0x7F, s7;
	v8 =	vor.u32 s6, v2  }
0x6e: {  	v7 =	vor.u32 s7, v1  }
0x6f: {  	v11 =	vld [tilespmem:s0+$0x2];
	v9 =	vor.u32 s7, v2  }
0x70: {  	v15 =	vld [tilespmem:s10+$0x2];
	v10 =	vor.u32 s6, v3  }
0x71: {  	v12 =	vor.u32 s7, v3;
	v6 =	vld.idx.msk [tilespmem:v6+s13+$0x0], $0xffff  }
0x72: {  	v13 =	vor.u32 s6, v4;
	v8 =	vld.idx.msk [tilespmem:v8+s13+$0x0], $0xffff  }
0x73: {  	v14 =	vor.u32 s7, v4;
	v7 =	vld.idx.msk [tilespmem:v7+s14+$0x0], $0xffff  }
0x74: {  	v9 =	vld.idx.msk [tilespmem:v9+s14+$0x0], $0xffff  }
0x75: {  	v10 =	vld.idx.msk [tilespmem:v10+s13+$0x0], $0xffff  }
0x76: {  	(v2sf) =	vpush v11, $0x0;
	v52 =	vld.idx.msk [tilespmem:v12+s14+$0x0], $0xffff  }
0x77: {  	v53 =	vld.idx.msk [tilespmem:v13+s13+$0x0], $0xffff  }
0x78: {  	(v2sf) =	vpush v15, $0x0;
	v54 =	vld.idx.msk [tilespmem:v14+s14+$0x0], $0xffff  }
0x79: {  	v6 =	vmul.f32 v7, v6;
	v7 =	vmul.f32 v9, v8;
	_ =	sdelay $0x1  }
0x7a: {  	v6 =	vadd.f32 v7, v6;
	v7 =	vmul.f32 v52, v10;
	_ =	sdelay $0x1  }
0x7b: {  	v6 =	vadd.f32 v7, v6;
	v7 =	vmul.f32 v54, v53;
	_ =	sdelay $0x1  }
0x7c: {  	v6 =	vadd.f32 v7, v6;
	_ =	sdelay $0x1  }
0x7d: {  	(xrf2) =	vadd.scan.msk.f32 $0xffff, v6;
	_ =	sdelay $0x3  }
0x7e: {  	s7 =	spop (v2sf)  }
0x7f: {  	s6 =	sand.u32 $0xFFFFF80, s7  }
0x80: {  	s8 =	spop (v2sf);
	s6 =	sadd.s32 s1, s6  }
0x81: {  	[tilespmem:s13], [sflag:$0x1] =	stream.strided.gather [hbm4b:s6+s11], $0x2000, s12, s11, $0x38;
	[tilespmem:$0x18700] =	vst v63  }
0x82: {  	s6 =	sand.u32 $0xFFFFF80, s8  }
0x83: {  	s6 =	sadd.s32 s2, s6  }
0x84: {  	[tilespmem:s14], [sflag:$0x1] =	stream.strided.gather [hbm4b:s6+s11], $0x2000, s12, s11, $0x38;
	v6, _, _ =	vpop (xrf2);
	[tilespmem:$0x18700] =	vst v63  }
0x85: {  	_ =	swait.ge [sflag:s26], $0x2000  }
0x86: {  	[sflag:s26] =	ssyncset.done $0x0  }
0x87: {  	[sflag:s26] =	ssyncadd.s32 $0xFFFFE000  }
0x88: {  	_ =	swait.ge [sflag:s26], $0x2000  }
0x89: {  	[sflag:s26] =	ssyncset.done $0x0  }
0x8a: {  	[sflag:s26] =	ssyncadd.s32 $0xFFFFE000  }
0x8b: {  	v7 =	vld [tilespmem:s0+$0xFFFFFFFD];
	_ =	sdelay $0x1  }
0x8c: {  	v55 =	vld [tilespmem:s10+$0xFFFFFFFD];
	_ =	sdelay $0x2  }
0x8d: {  	(v2sf) =	vpush v7, $0x0;
	_ =	sdelay $0x1  }
0x8e: {  	(v2sf) =	vpush v55, $0x0;
	_ =	sdelay $0xc  }
0x8f: {  	s7 =	spop (v2sf)  }
0x90: {  	s6 =	sand.u32 $0x7F, s7  }
0x91: {  	s8 =	spop (v2sf);
	v7 =	vor.u32 s6, v1  }
0x92: {  	s7 =	sand.u32 $0x7F, s8;
	v57 =	vor.u32 s6, v2  }
0x93: {  	v56 =	vor.u32 s7, v1  }
0x94: {  	v58 =	vor.u32 s7, v2  }
0x95: {  	v59 =	vor.u32 s6, v3  }
0x96: {  	v60 =	vor.u32 s7, v3;
	v7 =	vld.idx.msk [tilespmem:v7+s15+$0x0], $0xffff  }
0x97: {  	v61 =	vor.u32 s6, v4;
	v9 =	vld.idx.msk [tilespmem:v57+s15+$0x0], $0xffff  }
0x98: {  	v62 =	vor.u32 s7, v4;
	v8 =	vld.idx.msk [tilespmem:v56+s16+$0x0], $0xffff  }
0x99: {  	v10 =	vld.idx.msk [tilespmem:v58+s16+$0x0], $0xffff  }
0x9a: {  	v11 =	vld.idx.msk [tilespmem:v59+s15+$0x0], $0xffff  }
0x9b: {  	v12 =	vld.idx.msk [tilespmem:v60+s16+$0x0], $0xffff  }
0x9c: {  	v13 =	vld.idx.msk [tilespmem:v61+s15+$0x0], $0xffff  }
0x9d: {  	v14 =	vld.idx.msk [tilespmem:v62+s16+$0x0], $0xffff  }
0x9e: {  	v7 =	vmul.f32 v8, v7;
	v63 =	vmul.f32 v10, v9;
	_ =	sdelay $0x1  }
0x9f: {  	v12 =	vmul.f32 v12, v11;
	v7 =	vadd.f32 v63, v7;
	_ =	sdelay $0x1  }
0xa0: {  	v13 =	vmul.f32 v14, v13;
	v7 =	vadd.f32 v12, v7;
	_ =	sdelay $0x1  }
0xa1: {  	v7 =	vadd.f32 v13, v7;
	_ =	sdelay $0x1  }
0xa2: {  	(xrf2) =	vadd.scan.msk.f32 $0xffff, v7;
	_ =	sdelay $0x8  }
0xa3: {  	s6 =	sand.u32 $0xE, s5  }
0xa4: {  	v6 =	vbroadcast v6, $0xF;
	s8 =	sor.u32 $0x1, s6;
	v7 =	vmov s6;
	v14, _, _ =	vpop (xrf2)  }
0xa5: {  	v15 =	vld [tilespmem:s0+$0x3];
	vm2 =	veq.s32 v7, v0;
	v7 =	vmov s8;
	v8 =	vbroadcast v14, $0xF  }
0xa6: {  	v5 =	vsel vm2, v6, v5;
	vm2 =	veq.s32 v7, v0  }
0xa7: {  	p0 =	sne.s32 s6, $0xE;
	v5 =	vsel vm2, v8, v5  }
0xa8: {  	v6 =	vsub.f32 @!p0 $0.0e+00, v5  }
0xa9: {  	v7 =	vld [tilespmem:s10+$0x3]  }
0xaa: {  	(v2sf) =	vpush v15, $0x0;
	v6 =	vmul.f32 @!p0 $1.442695020e+00, v6;
	_ =	sdelay $0x1  }
0xab: {  	(erf) = vpow2.f32 @!p0 v6;
	_ =	sdelay $0x1  }
0xac: {  	(v2sf) =	vpush v7, $0x0;
	_ =	sdelay $0x6  }
0xad: {  	v6 =	vpop @!p0 (erf)  }
0xae: {  	v6 =	vadd.f32 @!p0 $1.000000000e+00, v6;
	_ =	sdelay $0x1  }
0xaf: {  	(erf) = vrcp.f32 @!p0 v6  }
0xb0: {  	s7 =	spop (v2sf)  }
0xb1: {  	s6 =	sand.u32 $0xFFFFF80, s7  }
0xb2: {  	s6 =	sadd.s32 s1, s6  }
0xb3: {  	[tilespmem:s15], [sflag:$0x2] =	stream.strided.gather [hbm4b:s6+s11], $0x2000, s12, s11, $0x38;
	[tilespmem:$0x18700] =	vst v63  }
0xb4: {  	s8 =	spop (v2sf)  }
0xb5: {  	s6 =	sand.u32 $0xFFFFF80, s8  }
0xb6: {  	s6 =	sadd.s32 s2, s6  }
0xb7: {  	[tilespmem:s16], [sflag:$0x2] =	stream.strided.gather [hbm4b:s6+s11], $0x2000, s12, s11, $0x38;
	[tilespmem:$0x18700] =	vst v63  }
0xb8: {  	s6 =	sand.u32 @!p0 $0x3F0, s5;
	v6 =	vpop @!p0 (erf)  }
0xb9: {  	[tilespmem:s6+$0x18500] =	vst @!p0 v6  }
0xba: {  	_ =	swait.ge [sflag:s28], $0x2000  }
0xbb: {  	[sflag:s28] =	ssyncset.done $0x0  }
0xbc: {  	[sflag:s28] =	ssyncadd.s32 $0xFFFFE000  }
0xbd: {  	_ =	swait.ge [sflag:s28], $0x2000  }
0xbe: {  	[sflag:s28] =	ssyncset.done $0x0  }
0xbf: {  	[sflag:s28] =	ssyncadd.s32 $0xFFFFE000  }
0xc0: {  	v6 =	vld [tilespmem:s0+$0xFFFFFFFE];
	_ =	sdelay $0x1  }
0xc1: {  	v7 =	vld [tilespmem:s10+$0xFFFFFFFE];
	_ =	sdelay $0x2  }
0xc2: {  	(v2sf) =	vpush v6, $0x0;
	_ =	sdelay $0x1  }
0xc3: {  	(v2sf) =	vpush v7, $0x0;
	_ =	sdelay $0xc  }
0xc4: {  	s7 =	spop (v2sf)  }
0xc5: {  	s6 =	sand.u32 $0x7F, s7  }
0xc6: {  	s8 =	spop (v2sf);
	v6 =	vor.u32 s6, v1  }
0xc7: {  	s7 =	sand.u32 $0x7F, s8;
	v16 =	vor.u32 s6, v2  }
0xc8: {  	s8 =	smin.u32 s5, $0x1F7;
	v7 =	vor.u32 s7, v1  }
0xc9: {  	v17 =	vor.u32 s7, v2;
	v19 =	vld [tilespmem:s8+$0x8]  }
0xca: {  	v18 =	vor.u32 s6, v3;
	v23 =	vld [tilespmem:s8+$0x288]  }
0xcb: {  	v20 =	vor.u32 s7, v3;
	v6 =	vld.idx.msk [tilespmem:v6+s17+$0x0], $0xffff  }
0xcc: {  	v21 =	vor.u32 s6, v4;
	v8 =	vld.idx.msk [tilespmem:v16+s17+$0x0], $0xffff  }
0xcd: {  	v22 =	vor.u32 s7, v4;
	v7 =	vld.idx.msk [tilespmem:v7+s18+$0x0], $0xffff  }
0xce: {  	v9 =	vld.idx.msk [tilespmem:v17+s18+$0x0], $0xffff  }
0xcf: {  	v10 =	vld.idx.msk [tilespmem:v18+s17+$0x0], $0xffff  }
0xd0: {  	(v2sf) =	vpush v19, $0x0;
	v24 =	vld.idx.msk [tilespmem:v20+s18+$0x0], $0xffff  }
0xd1: {  	v25 =	vld.idx.msk [tilespmem:v21+s17+$0x0], $0xffff  }
0xd2: {  	v26 =	vld.idx.msk [tilespmem:v22+s18+$0x0], $0xffff;
	(v2sf) =	vpush v23, $0x0  }
0xd3: {  	v6 =	vmul.f32 v7, v6;
	v7 =	vmul.f32 v9, v8;
	_ =	sdelay $0x1  }
0xd4: {  	v6 =	vadd.f32 v7, v6;
	v7 =	vmul.f32 v24, v10;
	_ =	sdelay $0x1  }
0xd5: {  	v6 =	vadd.f32 v7, v6;
	v7 =	vmul.f32 v26, v25;
	_ =	sdelay $0x1  }
0xd6: {  	v6 =	vadd.f32 v7, v6;
	_ =	sdelay $0x1  }
0xd7: {  	(xrf2) =	vadd.scan.msk.f32 $0xffff, v6;
	_ =	sdelay $0x3  }
0xd8: {  	s7 =	spop (v2sf)  }
0xd9: {  	s6 =	sand.u32 $0xFFFFF80, s7  }
0xda: {  	s8 =	spop (v2sf);
	s6 =	sadd.s32 s1, s6  }
0xdb: {  	[tilespmem:s17], [sflag:$0x3] =	stream.strided.gather [hbm4b:s6+s11], $0x2000, s12, s11, $0x38;
	[tilespmem:$0x18700] =	vst v63  }
0xdc: {  	s6 =	sand.u32 $0xFFFFF80, s8  }
0xdd: {  	s6 =	sadd.s32 s2, s6  }
0xde: {  	[tilespmem:s18], [sflag:$0x3] =	stream.strided.gather [hbm4b:s6+s11], $0x2000, s12, s11, $0x38;
	v6, _, _ =	vpop (xrf2);
	[tilespmem:$0x18700] =	vst v63  }
0xdf: {  	_ =	swait.ge [sflag:s29], $0x2000  }
0xe0: {  	[sflag:s29] =	ssyncset.done $0x0  }
0xe1: {  	[sflag:s29] =	ssyncadd.s32 $0xFFFFE000  }
0xe2: {  	_ =	swait.ge [sflag:s29], $0x2000  }
0xe3: {  	[sflag:s29] =	ssyncset.done $0x0  }
0xe4: {  	[sflag:s29] =	ssyncadd.s32 $0xFFFFE000  }
0xe5: {  	v7 =	vld [tilespmem:s0+$0xFFFFFFFF];
	_ =	sdelay $0x1  }
0xe6: {  	v27 =	vld [tilespmem:s10+$0xFFFFFFFF];
	_ =	sdelay $0x2  }
0xe7: {  	(v2sf) =	vpush v7, $0x0;
	_ =	sdelay $0x1  }
0xe8: {  	(v2sf) =	vpush v27, $0x0;
	_ =	sdelay $0xc  }
0xe9: {  	s7 =	spop (v2sf)  }
0xea: {  	s6 =	sand.u32 $0x7F, s7  }
0xeb: {  	s8 =	spop (v2sf);
	v7 =	vor.u32 s6, v1  }
0xec: {  	s7 =	sand.u32 $0x7F, s8;
	v29 =	vor.u32 s6, v2  }
0xed: {  	v28 =	vor.u32 s7, v1  }
0xee: {  	v30 =	vor.u32 s7, v2  }
0xef: {  	v31 =	vor.u32 s6, v3  }
0xf0: {  	v32 =	vor.u32 s7, v3;
	v7 =	vld.idx.msk [tilespmem:v7+s19+$0x0], $0xffff  }
0xf1: {  	v33 =	vor.u32 s6, v4;
	v9 =	vld.idx.msk [tilespmem:v29+s19+$0x0], $0xffff  }
0xf2: {  	v34 =	vor.u32 s7, v4;
	v8 =	vld.idx.msk [tilespmem:v28+s20+$0x0], $0xffff  }
0xf3: {  	v10 =	vld.idx.msk [tilespmem:v30+s20+$0x0], $0xffff  }
0xf4: {  	v11 =	vld.idx.msk [tilespmem:v31+s19+$0x0], $0xffff  }
0xf5: {  	v12 =	vld.idx.msk [tilespmem:v32+s20+$0x0], $0xffff  }
0xf6: {  	v13 =	vld.idx.msk [tilespmem:v33+s19+$0x0], $0xffff  }
0xf7: {  	v14 =	vld.idx.msk [tilespmem:v34+s20+$0x0], $0xffff  }
0xf8: {  	v7 =	vmul.f32 v8, v7;
	v35 =	vmul.f32 v10, v9;
	_ =	sdelay $0x1  }
0xf9: {  	v36 =	vmul.f32 v12, v11;
	v7 =	vadd.f32 v35, v7;
	_ =	sdelay $0x1  }
0xfa: {  	v37 =	vmul.f32 v14, v13;
	v7 =	vadd.f32 v36, v7;
	_ =	sdelay $0x1  }
0xfb: {  	v7 =	vadd.f32 v37, v7;
	_ =	sdelay $0x1  }
0xfc: {  	(xrf2) =	vadd.scan.msk.f32 $0xffff, v7;
	_ =	sdelay $0x7  }
0xfd: {  	s7 =	sadd.s32 $0x2, s5  }
0xfe: {  	s6 =	sand.u32 $0xE, s7;
	s7 =	sadd.s32 $0x3, s5  }
0xff: {  	v5 =	vpsel !p0, $0x0, v5;
	v6 =	vbroadcast v6, $0xF;
	s8 =	smin.u32 s5, $0x1F6;
	v7 =	vmov s6;
	s6 =	sand.u32 $0xF, s7;
	v38, _, _ =	vpop (xrf2)  }
0x100: {  	v39 =	vld [tilespmem:s8+$0x9];
	vm2 =	veq.s32 v7, v0;
	v7 =	vmov s6;
	v8 =	vbroadcast v38, $0xF  }
0x101: {  	v5 =	vsel vm2, v6, v5;
	vm2 =	veq.s32 v7, v0  }
0x102: {  	p0 =	sne.s32 s6, $0xF;
	v5 =	vsel vm2, v8, v5  }
0x103: {  	v6 =	vsub.f32 @!p0 $0.0e+00, v5  }
0x104: {  	v7 =	vld [tilespmem:s8+$0x289]  }
0x105: {  	(v2sf) =	vpush v39, $0x0;
	v6 =	vmul.f32 @!p0 $1.442695020e+00, v6;
	_ =	sdelay $0x1  }
0x106: {  	(erf) = vpow2.f32 @!p0 v6;
	_ =	sdelay $0x1  }
0x107: {  	(v2sf) =	vpush v7, $0x0;
	_ =	sdelay $0x6  }
0x108: {  	v6 =	vpop @!p0 (erf)  }
0x109: {  	v6 =	vadd.f32 @!p0 $1.000000000e+00, v6;
	_ =	sdelay $0x1  }
0x10a: {  	(erf) = vrcp.f32 @!p0 v6  }
0x10b: {  	s8 =	spop (v2sf)  }
0x10c: {  	s6 =	sand.u32 $0xFFFFF80, s8  }
0x10d: {  	s6 =	sadd.s32 s1, s6  }
0x10e: {  	[tilespmem:s19], [sflag:$0x4] =	stream.strided.gather [hbm4b:s6+s11], $0x2000, s12, s11, $0x38;
	[tilespmem:$0x18700] =	vst v63  }
0x10f: {  	s8 =	spop (v2sf)  }
0x110: {  	s6 =	sand.u32 $0xFFFFF80, s8  }
0x111: {  	s6 =	sadd.s32 s2, s6  }
0x112: {  	[tilespmem:s20], [sflag:$0x4] =	stream.strided.gather [hbm4b:s6+s11], $0x2000, s12, s11, $0x38;
	[tilespmem:$0x18700] =	vst v63  }
0x113: {  	s6 =	sand.u32 @!p0 $0x7F0, s7;
	v6 =	vpop @!p0 (erf)  }
0x114: {  	[tilespmem:s6+$0x18500] =	vst @!p0 v6  }
0x115: {  	_ =	swait.ge [sflag:s30], $0x2000  }
0x116: {  	[sflag:s30] =	ssyncset.done $0x0  }
0x117: {  	[sflag:s30] =	ssyncadd.s32 $0xFFFFE000  }
0x118: {  	_ =	swait.ge [sflag:s30], $0x2000  }
0x119: {  	[sflag:s30] =	ssyncset.done $0x0  }
0x11a: {  	[sflag:s30] =	ssyncadd.s32 $0xFFFFE000  }
0x11b: {  	v6 =	vld [tilespmem:s0+$0x0];
	_ =	sdelay $0x1  }
0x11c: {  	v7 =	vld [tilespmem:s10+$0x0];
	_ =	sdelay $0x2  }
0x11d: {  	(v2sf) =	vpush v6, $0x0;
	_ =	sdelay $0x1  }
0x11e: {  	(v2sf) =	vpush v7, $0x0;
	_ =	sdelay $0xc  }
0x11f: {  	s7 =	spop (v2sf)  }
0x120: {  	s6 =	sand.u32 $0x7F, s7  }
0x121: {  	s8 =	spop (v2sf);
	v6 =	vor.u32 s6, v1  }
0x122: {  	s7 =	sand.u32 $0x7F, s8;
	v40 =	vor.u32 s6, v2  }
0x123: {  	s8 =	smin.u32 s5, $0x1F5;
	v7 =	vor.u32 s7, v1  }
0x124: {  	v41 =	vor.u32 s7, v2;
	v43 =	vld [tilespmem:s8+$0xA]  }
0x125: {  	v42 =	vor.u32 s6, v3;
	v47 =	vld [tilespmem:s8+$0x28A]  }
0x126: {  	v44 =	vor.u32 s7, v3;
	v6 =	vld.idx.msk [tilespmem:v6+s21+$0x0], $0xffff  }
0x127: {  	v45 =	vor.u32 s6, v4;
	v8 =	vld.idx.msk [tilespmem:v40+s21+$0x0], $0xffff  }
0x128: {  	v46 =	vor.u32 s7, v4;
	v7 =	vld.idx.msk [tilespmem:v7+s22+$0x0], $0xffff  }
0x129: {  	v9 =	vld.idx.msk [tilespmem:v41+s22+$0x0], $0xffff  }
0x12a: {  	v10 =	vld.idx.msk [tilespmem:v42+s21+$0x0], $0xffff  }
0x12b: {  	(v2sf) =	vpush v43, $0x0;
	v48 =	vld.idx.msk [tilespmem:v44+s22+$0x0], $0xffff  }
0x12c: {  	v49 =	vld.idx.msk [tilespmem:v45+s21+$0x0], $0xffff  }
0x12d: {  	v50 =	vld.idx.msk [tilespmem:v46+s22+$0x0], $0xffff;
	(v2sf) =	vpush v47, $0x0  }
0x12e: {  	v6 =	vmul.f32 v7, v6;
	v7 =	vmul.f32 v9, v8;
	_ =	sdelay $0x1  }
0x12f: {  	v6 =	vadd.f32 v7, v6;
	v7 =	vmul.f32 v48, v10;
	_ =	sdelay $0x1  }
0x130: {  	v6 =	vadd.f32 v7, v6;
	v7 =	vmul.f32 v50, v49;
	_ =	sdelay $0x1  }
0x131: {  	v6 =	vadd.f32 v7, v6;
	_ =	sdelay $0x1  }
0x132: {  	(xrf2) =	vadd.scan.msk.f32 $0xffff, v6;
	_ =	sdelay $0x3  }
0x133: {  	s7 =	spop (v2sf)  }
0x134: {  	s6 =	sand.u32 $0xFFFFF80, s7  }
0x135: {  	s8 =	spop (v2sf);
	s6 =	sadd.s32 s1, s6  }
0x136: {  	[tilespmem:s21], [sflag:$0x5] =	stream.strided.gather [hbm4b:s6+s11], $0x2000, s12, s11, $0x38;
	[tilespmem:$0x18700] =	vst v63  }
0x137: {  	s6 =	sand.u32 $0xFFFFF80, s8  }
0x138: {  	s6 =	sadd.s32 s2, s6  }
0x139: {  	[tilespmem:s22], [sflag:$0x5] =	stream.strided.gather [hbm4b:s6+s11], $0x2000, s12, s11, $0x38;
	v6, _, _ =	vpop (xrf2);
	[tilespmem:$0x18700] =	vst v63  }
0x13a: {  	_ =	swait.ge [sflag:s31], $0x2000  }
0x13b: {  	[sflag:s31] =	ssyncset.done $0x0  }
0x13c: {  	[sflag:s31] =	ssyncadd.s32 $0xFFFFE000  }
0x13d: {  	_ =	swait.ge [sflag:s31], $0x2000  }
0x13e: {  	[sflag:s31] =	ssyncset.done $0x0  }
0x13f: {  	[sflag:s31] =	ssyncadd.s32 $0xFFFFE000  }
0x140: {  	v7 =	vld [tilespmem:s0+$0x1];
	_ =	sdelay $0x1  }
0x141: {  	v51 =	vld [tilespmem:s10+$0x1];
	_ =	sdelay $0x2  }
0x142: {  	(v2sf) =	vpush v7, $0x0;
	_ =	sdelay $0x1  }
0x143: {  	(v2sf) =	vpush v51, $0x0;
	_ =	sdelay $0xc  }
0x144: {  	s7 =	spop (v2sf)  }
0x145: {  	s6 =	sand.u32 $0x7F, s7  }
0x146: {  	s8 =	spop (v2sf);
	v7 =	vor.u32 s6, v1  }
0x147: {  	s7 =	sand.u32 $0x7F, s8;
	v53 =	vor.u32 s6, v2  }
0x148: {  	v52 =	vor.u32 s7, v1  }
0x149: {  	v54 =	vor.u32 s7, v2  }
0x14a: {  	v55 =	vor.u32 s6, v3  }
0x14b: {  	v56 =	vor.u32 s7, v3;
	v7 =	vld.idx.msk [tilespmem:v7+s23+$0x0], $0xffff  }
0x14c: {  	v57 =	vor.u32 s6, v4;
	v9 =	vld.idx.msk [tilespmem:v53+s23+$0x0], $0xffff  }
0x14d: {  	v58 =	vor.u32 s7, v4;
	v8 =	vld.idx.msk [tilespmem:v52+s24+$0x0], $0xffff  }
0x14e: {  	v10 =	vld.idx.msk [tilespmem:v54+s24+$0x0], $0xffff  }
0x14f: {  	v11 =	vld.idx.msk [tilespmem:v55+s23+$0x0], $0xffff  }
0x150: {  	v12 =	vld.idx.msk [tilespmem:v56+s24+$0x0], $0xffff  }
0x151: {  	v13 =	vld.idx.msk [tilespmem:v57+s23+$0x0], $0xffff  }
0x152: {  	v14 =	vld.idx.msk [tilespmem:v58+s24+$0x0], $0xffff  }
0x153: {  	v7 =	vmul.f32 v8, v7;
	v59 =	vmul.f32 v10, v9;
	_ =	sdelay $0x1  }
0x154: {  	v60 =	vmul.f32 v12, v11;
	v7 =	vadd.f32 v59, v7;
	_ =	sdelay $0x1  }
0x155: {  	v61 =	vmul.f32 v14, v13;
	v7 =	vadd.f32 v60, v7;
	_ =	sdelay $0x1  }
0x156: {  	v7 =	vadd.f32 v61, v7;
	_ =	sdelay $0x1  }
0x157: {  	(xrf2) =	vadd.scan.msk.f32 $0xffff, v7;
	_ =	sdelay $0x7  }
0x158: {  	s7 =	sadd.s32 $0x4, s5  }
0x159: {  	s6 =	sand.u32 $0xE, s7;
	s7 =	sadd.s32 $0x5, s5  }
0x15a: {  	v5 =	vpsel !p0, $0x0, v5;
	v6 =	vbroadcast v6, $0xF;
	s8 =	smin.u32 s5, $0x1F4;
	v7 =	vmov s6;
	s6 =	sand.u32 $0xF, s7;
	v62, _, _ =	vpop (xrf2)  }
0x15b: {  	v63 =	vld [tilespmem:s8+$0xB];
	vm2 =	veq.s32 v7, v0;
	v7 =	vmov s6;
	v8 =	vbroadcast v62, $0xF  }
0x15c: {  	v5 =	vsel vm2, v6, v5;
	vm2 =	veq.s32 v7, v0  }
0x15d: {  	p0 =	sne.s32 s6, $0xF;
	v5 =	vsel vm2, v8, v5  }
0x15e: {  	v7 =	vsub.f32 @!p0 $0.0e+00, v5  }
0x15f: {  	v6 =	vld [tilespmem:s8+$0x28B]  }
0x160: {  	(v2sf) =	vpush v63, $0x0;
	v7 =	vmul.f32 @!p0 $1.442695020e+00, v7;
	_ =	sdelay $0x1  }
0x161: {  	(erf) = vpow2.f32 @!p0 v7;
	_ =	sdelay $0x1  }
0x162: {  	(v2sf) =	vpush v6, $0x0;
	_ =	sdelay $0x6  }
0x163: {  	v6 =	vpop @!p0 (erf)  }
0x164: {  	v6 =	vadd.f32 @!p0 $1.000000000e+00, v6;
	_ =	sdelay $0x1  }
0x165: {  	(erf) = vrcp.f32 @!p0 v6  }
0x166: {  	s8 =	spop (v2sf)  }
0x167: {  	s6 =	sand.u32 $0xFFFFF80, s8  }
0x168: {  	s5 =	sadd.s32 $0x6, s5;
	s6 =	sadd.s32 s1, s6  }
0x169: {  	[tilespmem:s23], [sflag:$0x6] =	stream.strided.gather [hbm4b:s6+s11], $0x2000, s12, s11, $0x38;
	[tilespmem:$0x18700] =	vst v63  }
0x16a: {  	p1 =	sne.s32 s5, $0x1FE;
	s8 =	spop (v2sf)  }
.Ltmp0:
0x16b: {  	s6 =	sand.u32 $0xFFFFF80, s8;
	(pc) =	sbr.rel @p1 .LBB2_2-.Ltmp0, $4  }
0x16c: {  	s6 =	sadd.s32 s2, s6  }
0x16d: {  	[tilespmem:s24], [sflag:$0x6] =	stream.strided.gather [hbm4b:s6+s11], $0x2000, s12, s11, $0x38;
	[tilespmem:$0x18700] =	vst v63  }
0x16e: {  	s6 =	sand.u32 @!p0 $0x7F0, s7;
	v6 =	vpop @!p0 (erf)  }
0x16f: {  	s10 =	sadd.s32 $0x6, s10;
	s0 =	sadd.s32 $0x6, s0;
	v5 =	vpsel !p0, $0x0, v5;
	[tilespmem:s6+$0x18500] =	vst @!p0 v6  }
0x170: {  	_ =	swait.ge [sflag:s25], $0x2000  }
0x171: {  	[sflag:s25] =	ssyncset.done $0x0  }
0x172: {  	[sflag:s25] =	ssyncadd.s32 $0xFFFFE000  }
0x173: {  	_ =	swait.ge [sflag:s25], $0x2000  }
0x174: {  	[sflag:s25] =	ssyncset.done $0x0  }
0x175: {  	[sflag:s25] =	ssyncadd.s32 $0xFFFFE000  }
0x176: {  	v6 =	vld [tilespmem:$0x1FE];
	_ =	sdelay $0x1  }
0x177: {  	v7 =	vld [tilespmem:$0x47E];
	_ =	sdelay $0x2  }
0x178: {  	(v2sf) =	vpush v6, $0x0;
	_ =	sdelay $0x1  }
0x179: {  	(v2sf) =	vpush v7, $0x0;
	_ =	sdelay $0xc  }
0x17a: {  	s0 =	spop (v2sf)  }
0x17b: {  	s0 =	sand.u32 $0x7F, s0  }
0x17c: {  	s5 =	spop (v2sf);
	v6 =	vor.u32 s0, v1  }
0x17d: {  	s5 =	sand.u32 $0x7F, s5;
	v8 =	vor.u32 s0, v2  }
0x17e: {  	v7 =	vor.u32 s5, v1  }
0x17f: {  	v9 =	vor.u32 s5, v2  }
0x180: {  	v10 =	vor.u32 s0, v3  }
0x181: {  	v11 =	vor.u32 s5, v3;
	v6 =	vld.idx.msk [tilespmem:v6+s13+$0x0], $0xffff  }
0x182: {  	v12 =	vor.u32 s0, v4;
	v8 =	vld.idx.msk [tilespmem:v8+s13+$0x0], $0xffff  }
0x183: {  	v13 =	vor.u32 s5, v4;
	v7 =	vld.idx.msk [tilespmem:v7+s14+$0x0], $0xffff  }
0x184: {  	v9 =	vld.idx.msk [tilespmem:v9+s14+$0x0], $0xffff  }
0x185: {  	v10 =	vld.idx.msk [tilespmem:v10+s13+$0x0], $0xffff  }
0x186: {  	v11 =	vld.idx.msk [tilespmem:v11+s14+$0x0], $0xffff  }
0x187: {  	v12 =	vld.idx.msk [tilespmem:v12+s13+$0x0], $0xffff  }
0x188: {  	v13 =	vld.idx.msk [tilespmem:v13+s14+$0x0], $0xffff  }
0x189: {  	v6 =	vmul.f32 v7, v6;
	v7 =	vmul.f32 v9, v8;
	_ =	sdelay $0x1  }
0x18a: {  	v6 =	vadd.f32 v7, v6;
	v7 =	vmul.f32 v11, v10;
	_ =	sdelay $0x1  }
0x18b: {  	v6 =	vadd.f32 v7, v6;
	v7 =	vmul.f32 v13, v12;
	_ =	sdelay $0x1  }
0x18c: {  	v6 =	vadd.f32 v7, v6;
	_ =	sdelay $0x1  }
0x18d: {  	(xrf2) =	vadd.scan.msk.f32 $0xffff, v6;
	_ =	sdelay $0x9  }
0x18e: {  	v6, _, _ =	vpop (xrf2)  }
0x18f: {  	_ =	swait.ge [sflag:s26], $0x2000  }
0x190: {  	[sflag:s26] =	ssyncset.done $0x0  }
0x191: {  	[sflag:s26] =	ssyncadd.s32 $0xFFFFE000  }
0x192: {  	_ =	swait.ge [sflag:s26], $0x2000  }
0x193: {  	[sflag:s26] =	ssyncset.done $0x0  }
0x194: {  	[sflag:s26] =	ssyncadd.s32 $0xFFFFE000  }
0x195: {  	v7 =	vld [tilespmem:$0x1FF];
	_ =	sdelay $0x1  }
0x196: {  	v54 =	vld [tilespmem:$0x47F];
	_ =	sdelay $0x2  }
0x197: {  	(v2sf) =	vpush v7, $0x0;
	_ =	sdelay $0x1  }
0x198: {  	(v2sf) =	vpush v54, $0x0;
	_ =	sdelay $0xc  }
0x199: {  	s5 =	spop (v2sf)  }
0x19a: {  	s0 =	sand.u32 $0x7F, s5  }
0x19b: {  	s6 =	spop (v2sf);
	v7 =	vor.u32 s0, v1  }
0x19c: {  	s5 =	sand.u32 $0x7F, s6;
	v56 =	vor.u32 s0, v2  }
0x19d: {  	v55 =	vor.u32 s5, v1  }
0x19e: {  	v57 =	vor.u32 s5, v2  }
0x19f: {  	v58 =	vor.u32 s0, v3  }
0x1a0: {  	v59 =	vor.u32 s5, v3;
	v7 =	vld.idx.msk [tilespmem:v7+s15+$0x0], $0xffff  }
0x1a1: {  	v60 =	vor.u32 s0, v4;
	v9 =	vld.idx.msk [tilespmem:v56+s15+$0x0], $0xffff  }
0x1a2: {  	v14 =	vor.u32 s5, v4;
	v8 =	vld.idx.msk [tilespmem:v55+s16+$0x0], $0xffff  }
0x1a3: {  	v10 =	vld.idx.msk [tilespmem:v57+s16+$0x0], $0xffff  }
0x1a4: {  	v11 =	vld.idx.msk [tilespmem:v58+s15+$0x0], $0xffff  }
0x1a5: {  	v12 =	vld.idx.msk [tilespmem:v59+s16+$0x0], $0xffff  }
0x1a6: {  	v13 =	vld.idx.msk [tilespmem:v60+s15+$0x0], $0xffff  }
0x1a7: {  	v14 =	vld.idx.msk [tilespmem:v14+s16+$0x0], $0xffff  }
0x1a8: {  	v7 =	vmul.f32 v8, v7;
	v61 =	vmul.f32 v10, v9;
	_ =	sdelay $0x1  }
0x1a9: {  	v62 =	vmul.f32 v12, v11;
	v7 =	vadd.f32 v61, v7;
	_ =	sdelay $0x1  }
0x1aa: {  	v63 =	vmul.f32 v14, v13;
	v7 =	vadd.f32 v62, v7;
	_ =	sdelay $0x1  }
0x1ab: {  	v7 =	vadd.f32 v63, v7;
	_ =	sdelay $0x1  }
0x1ac: {  	(xrf2) =	vadd.scan.msk.f32 $0xffff, v7;
	_ =	sdelay $0x5  }
0x1ad: {  	v6 =	vbroadcast v6, $0xF;
	_ =	sdelay $0x3  }
0x1ae: {  	v5 =	vsel vm0, v6, v5;
	v6, _, _ =	vpop (xrf2)  }
0x1af: {  	v5 =	vsel vm1, v5, v6  }
0x1b0: {  	v5 =	vsub.f32 $0.0e+00, v5;
	_ =	sdelay $0x1  }
0x1b1: {  	v5 =	vmul.f32 $1.442695020e+00, v5;
	_ =	sdelay $0x1  }
0x1b2: {  	(erf) = vpow2.f32 v5;
	_ =	sdelay $0x8  }
0x1b3: {  	v5 =	vpop (erf)  }
0x1b4: {  	v5 =	vadd.f32 $1.000000000e+00, v5;
	_ =	sdelay $0x1  }
0x1b5: {  	(erf) = vrcp.f32 v5;
	_ =	sdelay $0x8  }
0x1b6: {  	v5 =	vpop (erf)  }
0x1b7: {  	[tilespmem:$0x186F0] =	vst v5  }
0x1b8: {  	_ =	swait.ge [sflag:s28], $0x2000  }
0x1b9: {  	[sflag:s28] =	ssyncset.done $0x0  }
0x1ba: {  	[sflag:s28] =	ssyncadd.s32 $0xFFFFE000  }
0x1bb: {  	_ =	swait.ge [sflag:s28], $0x2000  }
0x1bc: {  	[sflag:s28] =	ssyncset.done $0x0  }
0x1bd: {  	[sflag:s28] =	ssyncadd.s32 $0xFFFFE000  }
0x1be: {  	_ =	swait.ge [sflag:s29], $0x2000  }
0x1bf: {  	[sflag:s29] =	ssyncset.done $0x0  }
0x1c0: {  	[sflag:s29] =	ssyncadd.s32 $0xFFFFE000  }
0x1c1: {  	_ =	swait.ge [sflag:s29], $0x2000  }
0x1c2: {  	[sflag:s29] =	ssyncset.done $0x0  }
0x1c3: {  	[sflag:s29] =	ssyncadd.s32 $0xFFFFE000  }
0x1c4: {  	_ =	swait.ge [sflag:s30], $0x2000  }
0x1c5: {  	[sflag:s30] =	ssyncset.done $0x0  }
0x1c6: {  	[sflag:s30] =	ssyncadd.s32 $0xFFFFE000  }
0x1c7: {  	_ =	swait.ge [sflag:s30], $0x2000  }
0x1c8: {  	[sflag:s30] =	ssyncset.done $0x0  }
0x1c9: {  	[sflag:s30] =	ssyncadd.s32 $0xFFFFE000  }
0x1ca: {  	_ =	swait.ge [sflag:s31], $0x2000  }
0x1cb: {  	[sflag:s31] =	ssyncset.done $0x0  }
0x1cc: {  	[sflag:s31] =	ssyncadd.s32 $0xFFFFE000  }
0x1cd: {  	_ =	swait.ge [sflag:s31], $0x2000  }
0x1ce: {  	[sflag:s31] =	ssyncset.done $0x0  }
0x1cf: {  	s8 =	simm.s32 $0x18500;
	s7 =	rddreg [dreg:$0x8];
	[sflag:s31] =	ssyncadd.s32 $0xFFFFE000  }
0x1d0: {  	[hbm4b:s7+s4] =	stream.linear.scatter [tilespmem:s8], [sflag:$0x7], $0x200, $0x38;
	[tilespmem:$0x18700] =	vst v63  }
0x1d1: {  	_ =	swait.ge [sflag:s9], $0x200  }
0x1d2: {  	s3 =	sadd.s32 $0x1, s3;
	s10 =	rddreg [dreg:$0x9]  }
0x1d3: {  	p0 =	sne.s32 s3, s10  }
.Ltmp1:
0x1d4: {  	_ = 	snop;
	(pc) =	sbr.rel @p0 .LBB2_1-.Ltmp1, $3  }
0x1d5: {  	_ =	sdelay $0x1  }
0x1d6: {  	[sflag:s9] =	ssyncset.done $0x0  }
0x1d7: {  	[sflag:s9] =	ssyncadd.s32 $0xFFFFFE00  }
0x1d8: {  	_ =	sfence.sel $0x180000  }
0x1d9: {  	[bflag:$0x0] =	sbarrier.arrive $0xFFFF  }
0x1da: {  	_ =	strace $0x90000047  }
0x1db: {  	s0 =	stileid.u32;
	[bflag:$0x2] =	sbarrier.arrive $0xFFFF  }
0x1dc: {  	p0 =	sne.s32 s0, $0x0;
	s0 =	rddreg [dreg:$0x5]  }
0x1dd: {  	s0 =	sadd.s32 @!p0 $0x100000, s0  }
0x1de: {  	[sflag:s0] =	ssyncadd.tile.s32 @!p0 $0x1;
	_ =	shalt  }
.Lfunc_end2:
_tile_overlayer_lowered:
.L_overlay_start_2:
0x1df: {  	(tag) =	ssettag $0x2  }
0x1e0: {  	s0 =	rddreg [dreg:$0x0];
	s2 =	stileid.u32  }
0x1e1: {  	s1 =	rddreg [dreg:$0x1];
	p0 =	sne.s32 s2, $0x0  }
0x1e2: {  	s3 =	rddreg [dreg:$0x2];
	[bflag:$0x3] =	sbarrier.arrive $0xFFFF;
	s2 =	simm.s32 @!p0 $0x1C07  }
0x1e3: {  	[timem:s3], [sflag:s2] =	dma.local @!p0 [hbm:s0], s1  }
0x1e4: {  	s0 =	simm.s32 @!p0 $0x7  }
0x1e5: {  	_ =	swait.ge @!p0 [sflag:s0], s1  }
0x1e6: {  	s1 =	ssub.s32 @!p0 $0x0, s1;
	[sflag:s0] =	ssyncset.done @!p0 $0x0  }
0x1e7: {  	[sflag:s0] =	ssyncadd.s32 @!p0 s1  }
0x1e8: {  	[bflag:$0x3] =	sbarrier.arrive $0xFFFF  }
0x1e9: {  	_ =	shalt  }

</sc_bundles>
